<compile_context>
chip_gen: v7x
topology: tpu7x:2x2x1
jax: 0.10.2.dev20260603
libtpu: 0.0.44.dev20260713+nightly
codegen_flags: <defaults>
</compile_context>

<pallas_src>
import functools

import jax
import jax.numpy as jnp
from jax import lax
from jax.experimental import pallas as pl
from jax.experimental.pallas import tpu as pltpu
from jax.experimental.pallas import tpu_sc as plsc

NUM_ROWS = 3
DIM = 256

NUM_CORES = 2
NUM_SUBCORES = 16
NUM_WORKERS = NUM_CORES * NUM_SUBCORES
LANES = 16
SLOTS = DIM // LANES

N_TOTAL = 16 * 128 * 128
SC_ROWS = 5 * 8192
TC_ROWS = N_TOTAL - SC_ROWS

RPW = SC_ROWS // NUM_WORKERS
CHUNK = 128
NCHUNKS = RPW // CHUNK
NPAIRS = NCHUNKS // 2

TC_BLOCK = 2048
TC_GRID = TC_ROWS // TC_BLOCK


@functools.partial(
    pl.kernel,
    out_type=jax.ShapeDtypeStruct((N_TOTAL, DIM), jnp.float32),
    mesh=plsc.VectorSubcoreMesh(core_axis_name="c", subcore_axis_name="s"),
    compiler_params=pltpu.CompilerParams(needs_layout_passes=False),
    scratch_types=[
        pltpu.VMEM((RPW,), jnp.int32),
        pltpu.VMEM((NUM_ROWS * DIM,), jnp.float32),
        pltpu.VMEM((CHUNK, DIM), jnp.float32),
        pltpu.VMEM((CHUNK, DIM), jnp.float32),
        pltpu.SemaphoreType.DMA,
    ],
)
def _sc_expand(idx_hbm, table_hbm, out_hbm, idx_v, table_v, rows0, rows1, ssem):
    wid = lax.axis_index("s") * NUM_CORES + lax.axis_index("c")
    base = wid * RPW
    pltpu.sync_copy(table_hbm, table_v)
    pltpu.sync_copy(idx_hbm.at[pl.ds(base, RPW)], idx_v)

    def bucket_body(i, carry):
        s = idx_v[pl.ds(i * LANES, LANES)]
        idx_v[pl.ds(i * LANES, LANES)] = jnp.clip(s - 1, 0, NUM_ROWS - 1) * DIM
        return carry

    lax.fori_loop(0, RPW // LANES, bucket_body, 0)

    iota = lax.iota(jnp.int32, LANES)
    slot_off = [iota + (s * LANES) for s in range(SLOTS)]

    def expand_chunk(c, buf):
        @plsc.parallel_loop(c * CHUNK, (c + 1) * CHUNK, step=1, unroll=4)
        def row_body(r):
            bvec = plsc.load_gather(idx_v, [jnp.full((LANES,), r, jnp.int32)])
            rloc = r - c * CHUNK
            for s in range(SLOTS):
                vals = plsc.load_gather(table_v, [bvec + slot_off[s]])
                buf[rloc, pl.ds(s * LANES, LANES)] = vals

    def start_scatter(c, buf):
        row = TC_ROWS + base + c * CHUNK
        return pltpu.async_copy(buf, out_hbm.at[pl.ds(row, CHUNK)], ssem)

    def drain_one(buf):
        pltpu.make_async_copy(
            buf, out_hbm.at[pl.ds(TC_ROWS + base, CHUNK)], ssem
        ).wait()

    def pair_body(g, carry):
        for par, buf in ((0, rows0), (1, rows1)):
            c = g * 2 + par

            @pl.when(g > 0)
            def _():
                drain_one(buf)

            expand_chunk(c, buf)
            start_scatter(c, buf)
        return carry

    lax.fori_loop(0, NPAIRS, pair_body, 0)
    drain_one(rows0)
    drain_one(rows1)


def _tc_body(idx_ref, table_ref, prev_ref, out_ref):
    del prev_ref
    idx = idx_ref[0, 0, :]
    b = jnp.clip(idx - 1, 0, NUM_ROWS - 1)
    b2 = b[:, None]
    row0 = table_ref[0:1, :]
    row1 = table_ref[1:2, :]
    row2 = table_ref[2:3, :]
    out_ref[...] = jnp.where(b2 == 0, row0, jnp.where(b2 == 1, row1, row2))


def _tc_expand(idx3, table, prev):
    return pl.pallas_call(
        _tc_body,
        grid=(TC_GRID,),
        in_specs=[
            pl.BlockSpec((1, 1, TC_BLOCK), lambda i: (i, 0, 0)),
            pl.BlockSpec((NUM_ROWS, DIM), lambda i: (0, 0)),
            pl.BlockSpec(memory_space=pl.ANY),
        ],
        out_specs=pl.BlockSpec((TC_BLOCK, DIM), lambda i: (i, 0)),
        out_shape=jax.ShapeDtypeStruct((N_TOTAL, DIM), jnp.float32),
        input_output_aliases={2: 0},
    )(idx3, table, prev)


def kernel(path_length, bucket_embedding):
    shape = path_length.shape
    flat = path_length.reshape(-1).astype(jnp.int32)
    sc_out = _sc_expand(flat[TC_ROWS:], bucket_embedding.reshape(-1))
    out = _tc_expand(
        flat[:TC_ROWS].reshape(TC_GRID, 1, TC_BLOCK), bucket_embedding, sc_out
    )
    return out.reshape(*shape, DIM)

# --- scband reference (transcript-rebuilt; emitter-appended) ---
"""Pipeline reference for scband-path-encoding-24687472017537 (READ-ONLY COPY).

The authoritative reference and input builder live on the scoring server;
editing this copy changes nothing except your own understanding.
"""

import jax, jax.numpy as jnp
import numpy as np

NUM_BUCKETS = 3
EMBED_DIM = 256


def setup_inputs(seed: int = 0) -> dict:
    key = jax.random.key(seed)
    k1, k2 = jax.random.split(key)
    path_length = jax.random.randint(k1, (16, 128, 128), 0, 10, dtype=jnp.int64 if jax.config.read('jax_enable_x64') else jnp.int32)
    # learned embedding table, init normal(0, 0.02) as in the torch module
    bucket_embedding = 0.02 * jax.random.normal(k2, (NUM_BUCKETS, EMBED_DIM), dtype=jnp.float32)
    return {"path_length": path_length, "bucket_embedding": bucket_embedding}


def path_length_to_bucket(path_length):
    return jnp.clip(path_length - 1, 0, 2)


def reference(path_length, bucket_embedding):
    buckets = path_length_to_bucket(path_length)
    buckets = jnp.clip(buckets, 0, NUM_BUCKETS - 1)
    embeddings = jnp.take(bucket_embedding, buckets, axis=0)
    return embeddings

if __name__ == "__main__":
    import jax
    _d = setup_inputs()
    print(jax.jit(kernel)(*tuple(_d.values())))

</pallas_src>

<mosaic_0001>
#map = affine_map<(d0, d1) -> (0)>
#map1 = affine_map<(d0, d1) -> (0, 0)>
module attributes {stable_mosaic.version = 14 : i64} {
  func.func @_sc_expand(%arg0: i32, %arg1: i32, %arg2: memref<40960xi32, #tpu.memory_space<hbm>>, %arg3: memref<768xf32, #tpu.memory_space<hbm>>, %arg4: memref<262144x256xf32, #tpu.memory_space<hbm>>, %arg5: memref<1280xi32, #tpu.memory_space<vmem>>, %arg6: memref<768xf32, #tpu.memory_space<vmem>>, %arg7: memref<128x256xf32, #tpu.memory_space<vmem>>, %arg8: memref<128x256xf32, #tpu.memory_space<vmem>>, %arg9: memref<!tpu.dma_semaphore, #tpu.memory_space<semaphore_mem>>) attributes {dimension_semantics = [#tpu.dimension_semantics<core_parallel>, #tpu.dimension_semantics<subcore_parallel>], iteration_bounds = array<i64: 2, 16>, scalar_prefetch = 0 : i64, scratch_operands = 5 : i64, tpu.core_type = #tpu.core_type<sc_vector_subcore>, window_params = [{transform_indices = #map}, {transform_indices = #map}, {transform_indices = #map1}]} {
    %mul3A = arith.constant 2 : i32
    %mul3A_0 = arith.muli %arg1, %mul3A : i32
    %add3A = arith.addi %mul3A_0, %arg0 : i32
    %mul3A_1 = arith.constant 1280 : i32
    %mul3A_2 = arith.muli %add3A, %mul3A_1 : i32
    "tpu.region"() ({
      %run_scoped3A = tpu.sem_alloc : memref<!tpu.dma_semaphore, #tpu.memory_space<semaphore_mem>>
      tpu.enqueue_dma source(%arg3 : memref<768xf32, #tpu.memory_space<hbm>>) target(%arg6 : memref<768xf32, #tpu.memory_space<vmem>>) target_semaphore(%run_scoped3A : memref<!tpu.dma_semaphore, #tpu.memory_space<semaphore_mem>>)
      tpu.wait_dma2 semaphore(%run_scoped3A : memref<!tpu.dma_semaphore, #tpu.memory_space<semaphore_mem>>) src(%arg3 : memref<768xf32, #tpu.memory_space<hbm>>) dst(%arg6 : memref<768xf32, #tpu.memory_space<vmem>>)
      tpu.yield
    }) : () -> ()
    "tpu.region"() ({
      %run_scoped3A = tpu.sem_alloc : memref<!tpu.dma_semaphore, #tpu.memory_space<semaphore_mem>>
      %dma_start3A = tpu.memref_slice %arg2[%mul3A_2] : memref<40960xi32, #tpu.memory_space<hbm>> -> memref<1280xi32, #tpu.memory_space<hbm>>
      %dma_start3A_73 = tpu.memref_slice %arg2[%mul3A_2] : memref<40960xi32, #tpu.memory_space<hbm>> -> memref<1280xi32, #tpu.memory_space<hbm>>
      tpu.enqueue_dma source(%dma_start3A_73 : memref<1280xi32, #tpu.memory_space<hbm>>) target(%arg5 : memref<1280xi32, #tpu.memory_space<vmem>>) target_semaphore(%run_scoped3A : memref<!tpu.dma_semaphore, #tpu.memory_space<semaphore_mem>>)
      %dma_wait3A_74 = tpu.memref_slice %arg2[%mul3A_2] : memref<40960xi32, #tpu.memory_space<hbm>> -> memref<1280xi32, #tpu.memory_space<hbm>>
      %dma_wait3A_75 = tpu.memref_slice %arg2[%mul3A_2] : memref<40960xi32, #tpu.memory_space<hbm>> -> memref<1280xi32, #tpu.memory_space<hbm>>
      tpu.wait_dma2 semaphore(%run_scoped3A : memref<!tpu.dma_semaphore, #tpu.memory_space<semaphore_mem>>) src(%dma_wait3A_75 : memref<1280xi32, #tpu.memory_space<hbm>>) dst(%arg5 : memref<1280xi32, #tpu.memory_space<vmem>>)
      tpu.yield
    }) : () -> ()
    %scan3A = arith.constant 0 : i32
    %scan3A_3 = arith.constant 0 : i32
    %scan3A_4 = arith.constant 80 : i32
    %scan3A_5 = arith.addi %scan3A_3, %scan3A_4 : i32
    %scan3A_6 = arith.constant 1 : i32
    scf.for %scan3A_73 = %scan3A_3 to %scan3A_5 step %scan3A_6  : i32 {
      %mul3A_74 = arith.constant 16 : i32
      %mul3A_75 = arith.muli %scan3A_73, %mul3A_74 : i32
      %get3A = arith.index_cast %mul3A_75 : i32 to index
      %get3A_76 = tpu.vector_load %arg5[%get3A] {strides = array<i32>} : memref<1280xi32, #tpu.memory_space<vmem>>, vector<16xi32>,
      %sub3A = arith.constant 1 : i32
      %sub3A_77 = vector.broadcast %sub3A : i32 to vector<16xi32>
      %sub3A_78 = arith.subi %get3A_76, %sub3A_77 : vector<16xi32>
      %jit3A = arith.constant 0 : i32
      %jit3A_79 = arith.constant 2 : i32
      %max3A = vector.broadcast %jit3A : i32 to vector<16xi32>
      %max3A_80 = arith.maxsi %max3A, %sub3A_78 : vector<16xi32>
      %min3A = vector.broadcast %jit3A_79 : i32 to vector<16xi32>
      %min3A_81 = arith.minsi %min3A, %max3A_80 : vector<16xi32>
      %mul3A_82 = arith.constant 256 : i32
      %mul3A_83 = vector.broadcast %mul3A_82 : i32 to vector<16xi32>
      %mul3A_84 = arith.muli %min3A_81, %mul3A_83 : vector<16xi32>
      %mul3A_85 = arith.constant 16 : i32
      %mul3A_86 = arith.muli %scan3A_73, %mul3A_85 : i32
      %swap3A = arith.index_cast %mul3A_86 : i32 to index
      %swap3A_87 = tpu.vector_load %arg5[%swap3A] {strides = array<i32>} : memref<1280xi32, #tpu.memory_space<vmem>>, vector<16xi32>,
      tpu.vector_store %arg5[%swap3A], %mul3A_84 {strides = array<i32>} : memref<1280xi32, #tpu.memory_space<vmem>>, vector<16xi32>,
    }
    %scan3A_7 = arith.constant 80 : i32
    %iota3A = tpu.iota {dimensions = array<i32: 0>} : vector<16xi32>
    %add3A_8 = arith.constant 0 : i32
    %add3A_9 = vector.broadcast %add3A_8 : i32 to vector<16xi32>
    %add3A_10 = arith.addi %iota3A, %add3A_9 : vector<16xi32>
    %add3A_11 = arith.constant 16 : i32
    %add3A_12 = vector.broadcast %add3A_11 : i32 to vector<16xi32>
    %add3A_13 = arith.addi %iota3A, %add3A_12 : vector<16xi32>
    %add3A_14 = arith.constant 32 : i32
    %add3A_15 = vector.broadcast %add3A_14 : i32 to vector<16xi32>
    %add3A_16 = arith.addi %iota3A, %add3A_15 : vector<16xi32>
    %add3A_17 = arith.constant 48 : i32
    %add3A_18 = vector.broadcast %add3A_17 : i32 to vector<16xi32>
    %add3A_19 = arith.addi %iota3A, %add3A_18 : vector<16xi32>
    %add3A_20 = arith.constant 64 : i32
    %add3A_21 = vector.broadcast %add3A_20 : i32 to vector<16xi32>
    %add3A_22 = arith.addi %iota3A, %add3A_21 : vector<16xi32>
    %add3A_23 = arith.constant 80 : i32
    %add3A_24 = vector.broadcast %add3A_23 : i32 to vector<16xi32>
    %add3A_25 = arith.addi %iota3A, %add3A_24 : vector<16xi32>
    %add3A_26 = arith.constant 96 : i32
    %add3A_27 = vector.broadcast %add3A_26 : i32 to vector<16xi32>
    %add3A_28 = arith.addi %iota3A, %add3A_27 : vector<16xi32>
    %add3A_29 = arith.constant 112 : i32
    %add3A_30 = vector.broadcast %add3A_29 : i32 to vector<16xi32>
    %add3A_31 = arith.addi %iota3A, %add3A_30 : vector<16xi32>
    %add3A_32 = arith.constant 128 : i32
    %add3A_33 = vector.broadcast %add3A_32 : i32 to vector<16xi32>
    %add3A_34 = arith.addi %iota3A, %add3A_33 : vector<16xi32>
    %add3A_35 = arith.constant 144 : i32
    %add3A_36 = vector.broadcast %add3A_35 : i32 to vector<16xi32>
    %add3A_37 = arith.addi %iota3A, %add3A_36 : vector<16xi32>
    %add3A_38 = arith.constant 160 : i32
    %add3A_39 = vector.broadcast %add3A_38 : i32 to vector<16xi32>
    %add3A_40 = arith.addi %iota3A, %add3A_39 : vector<16xi32>
    %add3A_41 = arith.constant 176 : i32
    %add3A_42 = vector.broadcast %add3A_41 : i32 to vector<16xi32>
    %add3A_43 = arith.addi %iota3A, %add3A_42 : vector<16xi32>
    %add3A_44 = arith.constant 192 : i32
    %add3A_45 = vector.broadcast %add3A_44 : i32 to vector<16xi32>
    %add3A_46 = arith.addi %iota3A, %add3A_45 : vector<16xi32>
    %add3A_47 = arith.constant 208 : i32
    %add3A_48 = vector.broadcast %add3A_47 : i32 to vector<16xi32>
    %add3A_49 = arith.addi %iota3A, %add3A_48 : vector<16xi32>
    %add3A_50 = arith.constant 224 : i32
    %add3A_51 = vector.broadcast %add3A_50 : i32 to vector<16xi32>
    %add3A_52 = arith.addi %iota3A, %add3A_51 : vector<16xi32>
    %add3A_53 = arith.constant 240 : i32
    %add3A_54 = vector.broadcast %add3A_53 : i32 to vector<16xi32>
    %add3A_55 = arith.addi %iota3A, %add3A_54 : vector<16xi32>
    %scan3A_56 = arith.constant 0 : i32
    %scan3A_57 = arith.constant 0 : i32
    %scan3A_58 = arith.constant 5 : i32
    %scan3A_59 = arith.addi %scan3A_57, %scan3A_58 : i32
    %scan3A_60 = arith.constant 1 : i32
    scf.for %scan3A_73 = %scan3A_57 to %scan3A_59 step %scan3A_60  : i32 {
      %mul3A_74 = arith.constant 2 : i32
      %mul3A_75 = arith.muli %scan3A_73, %mul3A_74 : i32
      %add3A_76 = arith.constant 0 : i32
      %add3A_77 = arith.addi %mul3A_75, %add3A_76 : i32
      %gt3A = arith.constant 0 : i32
      %gt3A_78 = arith.cmpi sgt, %scan3A_73, %gt3A : i32
      %convert_element_type3A = arith.extui %gt3A_78 : i1 to i32
      %cond3A = arith.constant 0 : i32
      %cond3A_79 = arith.cmpi ne, %convert_element_type3A, %cond3A : i32
      scf.if %cond3A_79 {
        %add3A_119 = arith.constant 221184 : i32
        %add3A_120 = arith.addi %add3A_119, %mul3A_2 : i32
        %dma_wait3A_121 = arith.constant 0 : i32
        %dma_wait3A_122 = tpu.memref_slice %arg4[%add3A_120, %dma_wait3A_121] : memref<262144x256xf32, #tpu.memory_space<hbm>> -> memref<128x256xf32, #tpu.memory_space<hbm>>
        %dma_wait3A_123 = arith.constant 0 : i32
        %dma_wait3A_124 = tpu.memref_slice %arg4[%add3A_120, %dma_wait3A_123] : memref<262144x256xf32, #tpu.memory_space<hbm>> -> memref<128x256xf32, #tpu.memory_space<hbm>>
        tpu.wait_dma2 semaphore(%arg9 : memref<!tpu.dma_semaphore, #tpu.memory_space<semaphore_mem>>) src(%arg7 : memref<128x256xf32, #tpu.memory_space<vmem>>) dst(%dma_wait3A_124 : memref<128x256xf32, #tpu.memory_space<hbm>>)
      } else {
      }
      %mul3A_80 = arith.constant 128 : i32
      %mul3A_81 = arith.muli %add3A_77, %mul3A_80 : i32
      %add3A_82 = arith.constant 1 : i32
      %add3A_83 = arith.addi %add3A_77, %add3A_82 : i32
      %mul3A_84 = arith.constant 128 : i32
      %mul3A_85 = arith.muli %add3A_83, %mul3A_84 : i32
      %parallel_loop3A = arith.constant 1 : i32
      scf.for %parallel_loop3A_119 = %mul3A_81 to %mul3A_85 step %parallel_loop3A  : i32 {
        %parallel_loop3A_120 = vector.broadcast %parallel_loop3A_119 : i32 to vector<16xi32>
        %parallel_loop3A_121 = tpu.vector_load_idx %arg5[%parallel_loop3A_120] : memref<1280xi32, #tpu.memory_space<vmem>>[vector<16xi32>], vector<16xi32>,
        %parallel_loop3A_122 = arith.constant 128 : i32
        %parallel_loop3A_123 = arith.muli %add3A_77, %parallel_loop3A_122 : i32
        %parallel_loop3A_124 = arith.subi %parallel_loop3A_119, %parallel_loop3A_123 : i32
        %parallel_loop3A_125 = arith.addi %parallel_loop3A_121, %add3A_10 : vector<16xi32>
        %parallel_loop3A_126 = tpu.vector_load_idx %arg6[%parallel_loop3A_125] : memref<768xf32, #tpu.memory_space<vmem>>[vector<16xi32>], vector<16xf32>,
        %parallel_loop3A_127 = arith.index_cast %parallel_loop3A_124 : i32 to index
        %parallel_loop3A_128 = arith.constant 0 : index
        %parallel_loop3A_129 = tpu.vector_load %arg7[%parallel_loop3A_127, %parallel_loop3A_128] {strides = array<i32>} : memref<128x256xf32, #tpu.memory_space<vmem>>, vector<16xf32>,
        tpu.vector_store %arg7[%parallel_loop3A_127, %parallel_loop3A_128], %parallel_loop3A_126 {strides = array<i32>} : memref<128x256xf32, #tpu.memory_space<vmem>>, vector<16xf32>,
        %parallel_loop3A_130 = arith.addi %parallel_loop3A_121, %add3A_13 : vector<16xi32>
        %parallel_loop3A_131 = tpu.vector_load_idx %arg6[%parallel_loop3A_130] : memref<768xf32, #tpu.memory_space<vmem>>[vector<16xi32>], vector<16xf32>,
        %parallel_loop3A_132 = arith.index_cast %parallel_loop3A_124 : i32 to index
        %parallel_loop3A_133 = arith.constant 16 : index
        %parallel_loop3A_134 = tpu.vector_load %arg7[%parallel_loop3A_132, %parallel_loop3A_133] {strides = array<i32>} : memref<128x256xf32, #tpu.memory_space<vmem>>, vector<16xf32>,
        tpu.vector_store %arg7[%parallel_loop3A_132, %parallel_loop3A_133], %parallel_loop3A_131 {strides = array<i32>} : memref<128x256xf32, #tpu.memory_space<vmem>>, vector<16xf32>,
        %parallel_loop3A_135 = arith.addi %parallel_loop3A_121, %add3A_16 : vector<16xi32>
        %parallel_loop3A_136 = tpu.vector_load_idx %arg6[%parallel_loop3A_135] : memref<768xf32, #tpu.memory_space<vmem>>[vector<16xi32>], vector<16xf32>,
        %parallel_loop3A_137 = arith.index_cast %parallel_loop3A_124 : i32 to index
        %parallel_loop3A_138 = arith.constant 32 : index
        %parallel_loop3A_139 = tpu.vector_load %arg7[%parallel_loop3A_137, %parallel_loop3A_138] {strides = array<i32>} : memref<128x256xf32, #tpu.memory_space<vmem>>, vector<16xf32>,
        tpu.vector_store %arg7[%parallel_loop3A_137, %parallel_loop3A_138], %parallel_loop3A_136 {strides = array<i32>} : memref<128x256xf32, #tpu.memory_space<vmem>>, vector<16xf32>,
        %parallel_loop3A_140 = arith.addi %parallel_loop3A_121, %add3A_19 : vector<16xi32>
        %parallel_loop3A_141 = tpu.vector_load_idx %arg6[%parallel_loop3A_140] : memref<768xf32, #tpu.memory_space<vmem>>[vector<16xi32>], vector<16xf32>,
        %parallel_loop3A_142 = arith.index_cast %parallel_loop3A_124 : i32 to index
        %parallel_loop3A_143 = arith.constant 48 : index
        %parallel_loop3A_144 = tpu.vector_load %arg7[%parallel_loop3A_142, %parallel_loop3A_143] {strides = array<i32>} : memref<128x256xf32, #tpu.memory_space<vmem>>, vector<16xf32>,
        tpu.vector_store %arg7[%parallel_loop3A_142, %parallel_loop3A_143], %parallel_loop3A_141 {strides = array<i32>} : memref<128x256xf32, #tpu.memory_space<vmem>>, vector<16xf32>,
        %parallel_loop3A_145 = arith.addi %parallel_loop3A_121, %add3A_22 : vector<16xi32>
        %parallel_loop3A_146 = tpu.vector_load_idx %arg6[%parallel_loop3A_145] : memref<768xf32, #tpu.memory_space<vmem>>[vector<16xi32>], vector<16xf32>,
        %parallel_loop3A_147 = arith.index_cast %parallel_loop3A_124 : i32 to index
        %parallel_loop3A_148 = arith.constant 64 : index
        %parallel_loop3A_149 = tpu.vector_load %arg7[%parallel_loop3A_147, %parallel_loop3A_148] {strides = array<i32>} : memref<128x256xf32, #tpu.memory_space<vmem>>, vector<16xf32>,
        tpu.vector_store %arg7[%parallel_loop3A_147, %parallel_loop3A_148], %parallel_loop3A_146 {strides = array<i32>} : memref<128x256xf32, #tpu.memory_space<vmem>>, vector<16xf32>,
        %parallel_loop3A_150 = arith.addi %parallel_loop3A_121, %add3A_25 : vector<16xi32>
        %parallel_loop3A_151 = tpu.vector_load_idx %arg6[%parallel_loop3A_150] : memref<768xf32, #tpu.memory_space<vmem>>[vector<16xi32>], vector<16xf32>,
        %parallel_loop3A_152 = arith.index_cast %parallel_loop3A_124 : i32 to index
        %parallel_loop3A_153 = arith.constant 80 : index
        %parallel_loop3A_154 = tpu.vector_load %arg7[%parallel_loop3A_152, %parallel_loop3A_153] {strides = array<i32>} : memref<128x256xf32, #tpu.memory_space<vmem>>, vector<16xf32>,
        tpu.vector_store %arg7[%parallel_loop3A_152, %parallel_loop3A_153], %parallel_loop3A_151 {strides = array<i32>} : memref<128x256xf32, #tpu.memory_space<vmem>>, vector<16xf32>,
        %parallel_loop3A_155 = arith.addi %parallel_loop3A_121, %add3A_28 : vector<16xi32>
        %parallel_loop3A_156 = tpu.vector_load_idx %arg6[%parallel_loop3A_155] : memref<768xf32, #tpu.memory_space<vmem>>[vector<16xi32>], vector<16xf32>,
        %parallel_loop3A_157 = arith.index_cast %parallel_loop3A_124 : i32 to index
        %parallel_loop3A_158 = arith.constant 96 : index
        %parallel_loop3A_159 = tpu.vector_load %arg7[%parallel_loop3A_157, %parallel_loop3A_158] {strides = array<i32>} : memref<128x256xf32, #tpu.memory_space<vmem>>, vector<16xf32>,
        tpu.vector_store %arg7[%parallel_loop3A_157, %parallel_loop3A_158], %parallel_loop3A_156 {strides = array<i32>} : memref<128x256xf32, #tpu.memory_space<vmem>>, vector<16xf32>,
        %parallel_loop3A_160 = arith.addi %parallel_loop3A_121, %add3A_31 : vector<16xi32>
        %parallel_loop3A_161 = tpu.vector_load_idx %arg6[%parallel_loop3A_160] : memref<768xf32, #tpu.memory_space<vmem>>[vector<16xi32>], vector<16xf32>,
        %parallel_loop3A_162 = arith.index_cast %parallel_loop3A_124 : i32 to index
        %parallel_loop3A_163 = arith.constant 112 : index
        %parallel_loop3A_164 = tpu.vector_load %arg7[%parallel_loop3A_162, %parallel_loop3A_163] {strides = array<i32>} : memref<128x256xf32, #tpu.memory_space<vmem>>, vector<16xf32>,
        tpu.vector_store %arg7[%parallel_loop3A_162, %parallel_loop3A_163], %parallel_loop3A_161 {strides = array<i32>} : memref<128x256xf32, #tpu.memory_space<vmem>>, vector<16xf32>,
        %parallel_loop3A_165 = arith.addi %parallel_loop3A_121, %add3A_34 : vector<16xi32>
        %parallel_loop3A_166 = tpu.vector_load_idx %arg6[%parallel_loop3A_165] : memref<768xf32, #tpu.memory_space<vmem>>[vector<16xi32>], vector<16xf32>,
        %parallel_loop3A_167 = arith.index_cast %parallel_loop3A_124 : i32 to index
        %parallel_loop3A_168 = arith.constant 128 : index
        %parallel_loop3A_169 = tpu.vector_load %arg7[%parallel_loop3A_167, %parallel_loop3A_168] {strides = array<i32>} : memref<128x256xf32, #tpu.memory_space<vmem>>, vector<16xf32>,
        tpu.vector_store %arg7[%parallel_loop3A_167, %parallel_loop3A_168], %parallel_loop3A_166 {strides = array<i32>} : memref<128x256xf32, #tpu.memory_space<vmem>>, vector<16xf32>,
        %parallel_loop3A_170 = arith.addi %parallel_loop3A_121, %add3A_37 : vector<16xi32>
        %parallel_loop3A_171 = tpu.vector_load_idx %arg6[%parallel_loop3A_170] : memref<768xf32, #tpu.memory_space<vmem>>[vector<16xi32>], vector<16xf32>,
        %parallel_loop3A_172 = arith.index_cast %parallel_loop3A_124 : i32 to index
        %parallel_loop3A_173 = arith.constant 144 : index
        %parallel_loop3A_174 = tpu.vector_load %arg7[%parallel_loop3A_172, %parallel_loop3A_173] {strides = array<i32>} : memref<128x256xf32, #tpu.memory_space<vmem>>, vector<16xf32>,
        tpu.vector_store %arg7[%parallel_loop3A_172, %parallel_loop3A_173], %parallel_loop3A_171 {strides = array<i32>} : memref<128x256xf32, #tpu.memory_space<vmem>>, vector<16xf32>,
        %parallel_loop3A_175 = arith.addi %parallel_loop3A_121, %add3A_40 : vector<16xi32>
        %parallel_loop3A_176 = tpu.vector_load_idx %arg6[%parallel_loop3A_175] : memref<768xf32, #tpu.memory_space<vmem>>[vector<16xi32>], vector<16xf32>,
        %parallel_loop3A_177 = arith.index_cast %parallel_loop3A_124 : i32 to index
        %parallel_loop3A_178 = arith.constant 160 : index
        %parallel_loop3A_179 = tpu.vector_load %arg7[%parallel_loop3A_177, %parallel_loop3A_178] {strides = array<i32>} : memref<128x256xf32, #tpu.memory_space<vmem>>, vector<16xf32>,
        tpu.vector_store %arg7[%parallel_loop3A_177, %parallel_loop3A_178], %parallel_loop3A_176 {strides = array<i32>} : memref<128x256xf32, #tpu.memory_space<vmem>>, vector<16xf32>,
        %parallel_loop3A_180 = arith.addi %parallel_loop3A_121, %add3A_43 : vector<16xi32>
        %parallel_loop3A_181 = tpu.vector_load_idx %arg6[%parallel_loop3A_180] : memref<768xf32, #tpu.memory_space<vmem>>[vector<16xi32>], vector<16xf32>,
        %parallel_loop3A_182 = arith.index_cast %parallel_loop3A_124 : i32 to index
        %parallel_loop3A_183 = arith.constant 176 : index
        %parallel_loop3A_184 = tpu.vector_load %arg7[%parallel_loop3A_182, %parallel_loop3A_183] {strides = array<i32>} : memref<128x256xf32, #tpu.memory_space<vmem>>, vector<16xf32>,
        tpu.vector_store %arg7[%parallel_loop3A_182, %parallel_loop3A_183], %parallel_loop3A_181 {strides = array<i32>} : memref<128x256xf32, #tpu.memory_space<vmem>>, vector<16xf32>,
        %parallel_loop3A_185 = arith.addi %parallel_loop3A_121, %add3A_46 : vector<16xi32>
        %parallel_loop3A_186 = tpu.vector_load_idx %arg6[%parallel_loop3A_185] : memref<768xf32, #tpu.memory_space<vmem>>[vector<16xi32>], vector<16xf32>,
        %parallel_loop3A_187 = arith.index_cast %parallel_loop3A_124 : i32 to index
        %parallel_loop3A_188 = arith.constant 192 : index
        %parallel_loop3A_189 = tpu.vector_load %arg7[%parallel_loop3A_187, %parallel_loop3A_188] {strides = array<i32>} : memref<128x256xf32, #tpu.memory_space<vmem>>, vector<16xf32>,
        tpu.vector_store %arg7[%parallel_loop3A_187, %parallel_loop3A_188], %parallel_loop3A_186 {strides = array<i32>} : memref<128x256xf32, #tpu.memory_space<vmem>>, vector<16xf32>,
        %parallel_loop3A_190 = arith.addi %parallel_loop3A_121, %add3A_49 : vector<16xi32>
        %parallel_loop3A_191 = tpu.vector_load_idx %arg6[%parallel_loop3A_190] : memref<768xf32, #tpu.memory_space<vmem>>[vector<16xi32>], vector<16xf32>,
        %parallel_loop3A_192 = arith.index_cast %parallel_loop3A_124 : i32 to index
        %parallel_loop3A_193 = arith.constant 208 : index
        %parallel_loop3A_194 = tpu.vector_load %arg7[%parallel_loop3A_192, %parallel_loop3A_193] {strides = array<i32>} : memref<128x256xf32, #tpu.memory_space<vmem>>, vector<16xf32>,
        tpu.vector_store %arg7[%parallel_loop3A_192, %parallel_loop3A_193], %parallel_loop3A_191 {strides = array<i32>} : memref<128x256xf32, #tpu.memory_space<vmem>>, vector<16xf32>,
        %parallel_loop3A_195 = arith.addi %parallel_loop3A_121, %add3A_52 : vector<16xi32>
        %parallel_loop3A_196 = tpu.vector_load_idx %arg6[%parallel_loop3A_195] : memref<768xf32, #tpu.memory_space<vmem>>[vector<16xi32>], vector<16xf32>,
        %parallel_loop3A_197 = arith.index_cast %parallel_loop3A_124 : i32 to index
        %parallel_loop3A_198 = arith.constant 224 : index
        %parallel_loop3A_199 = tpu.vector_load %arg7[%parallel_loop3A_197, %parallel_loop3A_198] {strides = array<i32>} : memref<128x256xf32, #tpu.memory_space<vmem>>, vector<16xf32>,
        tpu.vector_store %arg7[%parallel_loop3A_197, %parallel_loop3A_198], %parallel_loop3A_196 {strides = array<i32>} : memref<128x256xf32, #tpu.memory_space<vmem>>, vector<16xf32>,
        %parallel_loop3A_200 = arith.addi %parallel_loop3A_121, %add3A_55 : vector<16xi32>
        %parallel_loop3A_201 = tpu.vector_load_idx %arg6[%parallel_loop3A_200] : memref<768xf32, #tpu.memory_space<vmem>>[vector<16xi32>], vector<16xf32>,
        %parallel_loop3A_202 = arith.index_cast %parallel_loop3A_124 : i32 to index
        %parallel_loop3A_203 = arith.constant 240 : index
        %parallel_loop3A_204 = tpu.vector_load %arg7[%parallel_loop3A_202, %parallel_loop3A_203] {strides = array<i32>} : memref<128x256xf32, #tpu.memory_space<vmem>>, vector<16xf32>,
        tpu.vector_store %arg7[%parallel_loop3A_202, %parallel_loop3A_203], %parallel_loop3A_201 {strides = array<i32>} : memref<128x256xf32, #tpu.memory_space<vmem>>, vector<16xf32>,
      } {sc.loop_unroll_factor = 4 : i64, sc.parallel_access}
      %add3A_86 = arith.constant 221184 : i32
      %add3A_87 = arith.addi %add3A_86, %mul3A_2 : i32
      %mul3A_88 = arith.constant 128 : i32
      %mul3A_89 = arith.muli %add3A_77, %mul3A_88 : i32
      %add3A_90 = arith.addi %add3A_87, %mul3A_89 : i32
      %dma_start3A = arith.constant 0 : i32
      %dma_start3A_91 = tpu.memref_slice %arg4[%add3A_90, %dma_start3A] : memref<262144x256xf32, #tpu.memory_space<hbm>> -> memref<128x256xf32, #tpu.memory_space<hbm>>
      %dma_start3A_92 = arith.constant 0 : i32
      %dma_start3A_93 = tpu.memref_slice %arg4[%add3A_90, %dma_start3A_92] : memref<262144x256xf32, #tpu.memory_space<hbm>> -> memref<128x256xf32, #tpu.memory_space<hbm>>
      tpu.enqueue_dma source(%arg7 : memref<128x256xf32, #tpu.memory_space<vmem>>) target(%dma_start3A_93 : memref<128x256xf32, #tpu.memory_space<hbm>>) target_semaphore(%arg9 : memref<!tpu.dma_semaphore, #tpu.memory_space<semaphore_mem>>)
      %mul3A_94 = arith.constant 2 : i32
      %mul3A_95 = arith.muli %scan3A_73, %mul3A_94 : i32
      %add3A_96 = arith.constant 1 : i32
      %add3A_97 = arith.addi %mul3A_95, %add3A_96 : i32
      %gt3A_98 = arith.constant 0 : i32
      %gt3A_99 = arith.cmpi sgt, %scan3A_73, %gt3A_98 : i32
      %convert_element_type3A_100 = arith.extui %gt3A_99 : i1 to i32
      %cond3A_101 = arith.constant 0 : i32
      %cond3A_102 = arith.cmpi ne, %convert_element_type3A_100, %cond3A_101 : i32
      scf.if %cond3A_102 {
        %add3A_119 = arith.constant 221184 : i32
        %add3A_120 = arith.addi %add3A_119, %mul3A_2 : i32
        %dma_wait3A_121 = arith.constant 0 : i32
        %dma_wait3A_122 = tpu.memref_slice %arg4[%add3A_120, %dma_wait3A_121] : memref<262144x256xf32, #tpu.memory_space<hbm>> -> memref<128x256xf32, #tpu.memory_space<hbm>>
        %dma_wait3A_123 = arith.constant 0 : i32
        %dma_wait3A_124 = tpu.memref_slice %arg4[%add3A_120, %dma_wait3A_123] : memref<262144x256xf32, #tpu.memory_space<hbm>> -> memref<128x256xf32, #tpu.memory_space<hbm>>
        tpu.wait_dma2 semaphore(%arg9 : memref<!tpu.dma_semaphore, #tpu.memory_space<semaphore_mem>>) src(%arg8 : memref<128x256xf32, #tpu.memory_space<vmem>>) dst(%dma_wait3A_124 : memref<128x256xf32, #tpu.memory_space<hbm>>)
      } else {
      }
      %mul3A_103 = arith.constant 128 : i32
      %mul3A_104 = arith.muli %add3A_97, %mul3A_103 : i32
      %add3A_105 = arith.constant 1 : i32
      %add3A_106 = arith.addi %add3A_97, %add3A_105 : i32
      %mul3A_107 = arith.constant 128 : i32
      %mul3A_108 = arith.muli %add3A_106, %mul3A_107 : i32
      %parallel_loop3A_109 = arith.constant 1 : i32
      scf.for %parallel_loop3A_119 = %mul3A_104 to %mul3A_108 step %parallel_loop3A_109  : i32 {
        %parallel_loop3A_120 = vector.broadcast %parallel_loop3A_119 : i32 to vector<16xi32>
        %parallel_loop3A_121 = tpu.vector_load_idx %arg5[%parallel_loop3A_120] : memref<1280xi32, #tpu.memory_space<vmem>>[vector<16xi32>], vector<16xi32>,
        %parallel_loop3A_122 = arith.constant 128 : i32
        %parallel_loop3A_123 = arith.muli %add3A_97, %parallel_loop3A_122 : i32
        %parallel_loop3A_124 = arith.subi %parallel_loop3A_119, %parallel_loop3A_123 : i32
        %parallel_loop3A_125 = arith.addi %parallel_loop3A_121, %add3A_10 : vector<16xi32>
        %parallel_loop3A_126 = tpu.vector_load_idx %arg6[%parallel_loop3A_125] : memref<768xf32, #tpu.memory_space<vmem>>[vector<16xi32>], vector<16xf32>,
        %parallel_loop3A_127 = arith.index_cast %parallel_loop3A_124 : i32 to index
        %parallel_loop3A_128 = arith.constant 0 : index
        %parallel_loop3A_129 = tpu.vector_load %arg8[%parallel_loop3A_127, %parallel_loop3A_128] {strides = array<i32>} : memref<128x256xf32, #tpu.memory_space<vmem>>, vector<16xf32>,
        tpu.vector_store %arg8[%parallel_loop3A_127, %parallel_loop3A_128], %parallel_loop3A_126 {strides = array<i32>} : memref<128x256xf32, #tpu.memory_space<vmem>>, vector<16xf32>,
        %parallel_loop3A_130 = arith.addi %parallel_loop3A_121, %add3A_13 : vector<16xi32>
        %parallel_loop3A_131 = tpu.vector_load_idx %arg6[%parallel_loop3A_130] : memref<768xf32, #tpu.memory_space<vmem>>[vector<16xi32>], vector<16xf32>,
        %parallel_loop3A_132 = arith.index_cast %parallel_loop3A_124 : i32 to index
        %parallel_loop3A_133 = arith.constant 16 : index
        %parallel_loop3A_134 = tpu.vector_load %arg8[%parallel_loop3A_132, %parallel_loop3A_133] {strides = array<i32>} : memref<128x256xf32, #tpu.memory_space<vmem>>, vector<16xf32>,
        tpu.vector_store %arg8[%parallel_loop3A_132, %parallel_loop3A_133], %parallel_loop3A_131 {strides = array<i32>} : memref<128x256xf32, #tpu.memory_space<vmem>>, vector<16xf32>,
        %parallel_loop3A_135 = arith.addi %parallel_loop3A_121, %add3A_16 : vector<16xi32>
        %parallel_loop3A_136 = tpu.vector_load_idx %arg6[%parallel_loop3A_135] : memref<768xf32, #tpu.memory_space<vmem>>[vector<16xi32>], vector<16xf32>,
        %parallel_loop3A_137 = arith.index_cast %parallel_loop3A_124 : i32 to index
        %parallel_loop3A_138 = arith.constant 32 : index
        %parallel_loop3A_139 = tpu.vector_load %arg8[%parallel_loop3A_137, %parallel_loop3A_138] {strides = array<i32>} : memref<128x256xf32, #tpu.memory_space<vmem>>, vector<16xf32>,
        tpu.vector_store %arg8[%parallel_loop3A_137, %parallel_loop3A_138], %parallel_loop3A_136 {strides = array<i32>} : memref<128x256xf32, #tpu.memory_space<vmem>>, vector<16xf32>,
        %parallel_loop3A_140 = arith.addi %parallel_loop3A_121, %add3A_19 : vector<16xi32>
        %parallel_loop3A_141 = tpu.vector_load_idx %arg6[%parallel_loop3A_140] : memref<768xf32, #tpu.memory_space<vmem>>[vector<16xi32>], vector<16xf32>,
        %parallel_loop3A_142 = arith.index_cast %parallel_loop3A_124 : i32 to index
        %parallel_loop3A_143 = arith.constant 48 : index
        %parallel_loop3A_144 = tpu.vector_load %arg8[%parallel_loop3A_142, %parallel_loop3A_143] {strides = array<i32>} : memref<128x256xf32, #tpu.memory_space<vmem>>, vector<16xf32>,
        tpu.vector_store %arg8[%parallel_loop3A_142, %parallel_loop3A_143], %parallel_loop3A_141 {strides = array<i32>} : memref<128x256xf32, #tpu.memory_space<vmem>>, vector<16xf32>,
        %parallel_loop3A_145 = arith.addi %parallel_loop3A_121, %add3A_22 : vector<16xi32>
        %parallel_loop3A_146 = tpu.vector_load_idx %arg6[%parallel_loop3A_145] : memref<768xf32, #tpu.memory_space<vmem>>[vector<16xi32>], vector<16xf32>,
        %parallel_loop3A_147 = arith.index_cast %parallel_loop3A_124 : i32 to index
        %parallel_loop3A_148 = arith.constant 64 : index
        %parallel_loop3A_149 = tpu.vector_load %arg8[%parallel_loop3A_147, %parallel_loop3A_148] {strides = array<i32>} : memref<128x256xf32, #tpu.memory_space<vmem>>, vector<16xf32>,
        tpu.vector_store %arg8[%parallel_loop3A_147, %parallel_loop3A_148], %parallel_loop3A_146 {strides = array<i32>} : memref<128x256xf32, #tpu.memory_space<vmem>>, vector<16xf32>,
        %parallel_loop3A_150 = arith.addi %parallel_loop3A_121, %add3A_25 : vector<16xi32>
        %parallel_loop3A_151 = tpu.vector_load_idx %arg6[%parallel_loop3A_150] : memref<768xf32, #tpu.memory_space<vmem>>[vector<16xi32>], vector<16xf32>,
        %parallel_loop3A_152 = arith.index_cast %parallel_loop3A_124 : i32 to index
        %parallel_loop3A_153 = arith.constant 80 : index
        %parallel_loop3A_154 = tpu.vector_load %arg8[%parallel_loop3A_152, %parallel_loop3A_153] {strides = array<i32>} : memref<128x256xf32, #tpu.memory_space<vmem>>, vector<16xf32>,
        tpu.vector_store %arg8[%parallel_loop3A_152, %parallel_loop3A_153], %parallel_loop3A_151 {strides = array<i32>} : memref<128x256xf32, #tpu.memory_space<vmem>>, vector<16xf32>,
        %parallel_loop3A_155 = arith.addi %parallel_loop3A_121, %add3A_28 : vector<16xi32>
        %parallel_loop3A_156 = tpu.vector_load_idx %arg6[%parallel_loop3A_155] : memref<768xf32, #tpu.memory_space<vmem>>[vector<16xi32>], vector<16xf32>,
        %parallel_loop3A_157 = arith.index_cast %parallel_loop3A_124 : i32 to index
        %parallel_loop3A_158 = arith.constant 96 : index
        %parallel_loop3A_159 = tpu.vector_load %arg8[%parallel_loop3A_157, %parallel_loop3A_158] {strides = array<i32>} : memref<128x256xf32, #tpu.memory_space<vmem>>, vector<16xf32>,
        tpu.vector_store %arg8[%parallel_loop3A_157, %parallel_loop3A_158], %parallel_loop3A_156 {strides = array<i32>} : memref<128x256xf32, #tpu.memory_space<vmem>>, vector<16xf32>,
        %parallel_loop3A_160 = arith.addi %parallel_loop3A_121, %add3A_31 : vector<16xi32>
        %parallel_loop3A_161 = tpu.vector_load_idx %arg6[%parallel_loop3A_160] : memref<768xf32, #tpu.memory_space<vmem>>[vector<16xi32>], vector<16xf32>,
        %parallel_loop3A_162 = arith.index_cast %parallel_loop3A_124 : i32 to index
        %parallel_loop3A_163 = arith.constant 112 : index
        %parallel_loop3A_164 = tpu.vector_load %arg8[%parallel_loop3A_162, %parallel_loop3A_163] {strides = array<i32>} : memref<128x256xf32, #tpu.memory_space<vmem>>, vector<16xf32>,
        tpu.vector_store %arg8[%parallel_loop3A_162, %parallel_loop3A_163], %parallel_loop3A_161 {strides = array<i32>} : memref<128x256xf32, #tpu.memory_space<vmem>>, vector<16xf32>,
        %parallel_loop3A_165 = arith.addi %parallel_loop3A_121, %add3A_34 : vector<16xi32>
        %parallel_loop3A_166 = tpu.vector_load_idx %arg6[%parallel_loop3A_165] : memref<768xf32, #tpu.memory_space<vmem>>[vector<16xi32>], vector<16xf32>,
        %parallel_loop3A_167 = arith.index_cast %parallel_loop3A_124 : i32 to index
        %parallel_loop3A_168 = arith.constant 128 : index
        %parallel_loop3A_169 = tpu.vector_load %arg8[%parallel_loop3A_167, %parallel_loop3A_168] {strides = array<i32>} : memref<128x256xf32, #tpu.memory_space<vmem>>, vector<16xf32>,
        tpu.vector_store %arg8[%parallel_loop3A_167, %parallel_loop3A_168], %parallel_loop3A_166 {strides = array<i32>} : memref<128x256xf32, #tpu.memory_space<vmem>>, vector<16xf32>,
        %parallel_loop3A_170 = arith.addi %parallel_loop3A_121, %add3A_37 : vector<16xi32>
        %parallel_loop3A_171 = tpu.vector_load_idx %arg6[%parallel_loop3A_170] : memref<768xf32, #tpu.memory_space<vmem>>[vector<16xi32>], vector<16xf32>,
        %parallel_loop3A_172 = arith.index_cast %parallel_loop3A_124 : i32 to index
        %parallel_loop3A_173 = arith.constant 144 : index
        %parallel_loop3A_174 = tpu.vector_load %arg8[%parallel_loop3A_172, %parallel_loop3A_173] {strides = array<i32>} : memref<128x256xf32, #tpu.memory_space<vmem>>, vector<16xf32>,
        tpu.vector_store %arg8[%parallel_loop3A_172, %parallel_loop3A_173], %parallel_loop3A_171 {strides = array<i32>} : memref<128x256xf32, #tpu.memory_space<vmem>>, vector<16xf32>,
        %parallel_loop3A_175 = arith.addi %parallel_loop3A_121, %add3A_40 : vector<16xi32>
        %parallel_loop3A_176 = tpu.vector_load_idx %arg6[%parallel_loop3A_175] : memref<768xf32, #tpu.memory_space<vmem>>[vector<16xi32>], vector<16xf32>,
        %parallel_loop3A_177 = arith.index_cast %parallel_loop3A_124 : i32 to index
        %parallel_loop3A_178 = arith.constant 160 : index
        %parallel_loop3A_179 = tpu.vector_load %arg8[%parallel_loop3A_177, %parallel_loop3A_178] {strides = array<i32>} : memref<128x256xf32, #tpu.memory_space<vmem>>, vector<16xf32>,
        tpu.vector_store %arg8[%parallel_loop3A_177, %parallel_loop3A_178], %parallel_loop3A_176 {strides = array<i32>} : memref<128x256xf32, #tpu.memory_space<vmem>>, vector<16xf32>,
        %parallel_loop3A_180 = arith.addi %parallel_loop3A_121, %add3A_43 : vector<16xi32>
        %parallel_loop3A_181 = tpu.vector_load_idx %arg6[%parallel_loop3A_180] : memref<768xf32, #tpu.memory_space<vmem>>[vector<16xi32>], vector<16xf32>,
        %parallel_loop3A_182 = arith.index_cast %parallel_loop3A_124 : i32 to index
        %parallel_loop3A_183 = arith.constant 176 : index
        %parallel_loop3A_184 = tpu.vector_load %arg8[%parallel_loop3A_182, %parallel_loop3A_183] {strides = array<i32>} : memref<128x256xf32, #tpu.memory_space<vmem>>, vector<16xf32>,
        tpu.vector_store %arg8[%parallel_loop3A_182, %parallel_loop3A_183], %parallel_loop3A_181 {strides = array<i32>} : memref<128x256xf32, #tpu.memory_space<vmem>>, vector<16xf32>,
        %parallel_loop3A_185 = arith.addi %parallel_loop3A_121, %add3A_46 : vector<16xi32>
        %parallel_loop3A_186 = tpu.vector_load_idx %arg6[%parallel_loop3A_185] : memref<768xf32, #tpu.memory_space<vmem>>[vector<16xi32>], vector<16xf32>,
        %parallel_loop3A_187 = arith.index_cast %parallel_loop3A_124 : i32 to index
        %parallel_loop3A_188 = arith.constant 192 : index
        %parallel_loop3A_189 = tpu.vector_load %arg8[%parallel_loop3A_187, %parallel_loop3A_188] {strides = array<i32>} : memref<128x256xf32, #tpu.memory_space<vmem>>, vector<16xf32>,
        tpu.vector_store %arg8[%parallel_loop3A_187, %parallel_loop3A_188], %parallel_loop3A_186 {strides = array<i32>} : memref<128x256xf32, #tpu.memory_space<vmem>>, vector<16xf32>,
        %parallel_loop3A_190 = arith.addi %parallel_loop3A_121, %add3A_49 : vector<16xi32>
        %parallel_loop3A_191 = tpu.vector_load_idx %arg6[%parallel_loop3A_190] : memref<768xf32, #tpu.memory_space<vmem>>[vector<16xi32>], vector<16xf32>,
        %parallel_loop3A_192 = arith.index_cast %parallel_loop3A_124 : i32 to index
        %parallel_loop3A_193 = arith.constant 208 : index
        %parallel_loop3A_194 = tpu.vector_load %arg8[%parallel_loop3A_192, %parallel_loop3A_193] {strides = array<i32>} : memref<128x256xf32, #tpu.memory_space<vmem>>, vector<16xf32>,
        tpu.vector_store %arg8[%parallel_loop3A_192, %parallel_loop3A_193], %parallel_loop3A_191 {strides = array<i32>} : memref<128x256xf32, #tpu.memory_space<vmem>>, vector<16xf32>,
        %parallel_loop3A_195 = arith.addi %parallel_loop3A_121, %add3A_52 : vector<16xi32>
        %parallel_loop3A_196 = tpu.vector_load_idx %arg6[%parallel_loop3A_195] : memref<768xf32, #tpu.memory_space<vmem>>[vector<16xi32>], vector<16xf32>,
        %parallel_loop3A_197 = arith.index_cast %parallel_loop3A_124 : i32 to index
        %parallel_loop3A_198 = arith.constant 224 : index
        %parallel_loop3A_199 = tpu.vector_load %arg8[%parallel_loop3A_197, %parallel_loop3A_198] {strides = array<i32>} : memref<128x256xf32, #tpu.memory_space<vmem>>, vector<16xf32>,
        tpu.vector_store %arg8[%parallel_loop3A_197, %parallel_loop3A_198], %parallel_loop3A_196 {strides = array<i32>} : memref<128x256xf32, #tpu.memory_space<vmem>>, vector<16xf32>,
        %parallel_loop3A_200 = arith.addi %parallel_loop3A_121, %add3A_55 : vector<16xi32>
        %parallel_loop3A_201 = tpu.vector_load_idx %arg6[%parallel_loop3A_200] : memref<768xf32, #tpu.memory_space<vmem>>[vector<16xi32>], vector<16xf32>,
        %parallel_loop3A_202 = arith.index_cast %parallel_loop3A_124 : i32 to index
        %parallel_loop3A_203 = arith.constant 240 : index
        %parallel_loop3A_204 = tpu.vector_load %arg8[%parallel_loop3A_202, %parallel_loop3A_203] {strides = array<i32>} : memref<128x256xf32, #tpu.memory_space<vmem>>, vector<16xf32>,
        tpu.vector_store %arg8[%parallel_loop3A_202, %parallel_loop3A_203], %parallel_loop3A_201 {strides = array<i32>} : memref<128x256xf32, #tpu.memory_space<vmem>>, vector<16xf32>,
      } {sc.loop_unroll_factor = 4 : i64, sc.parallel_access}
      %add3A_110 = arith.constant 221184 : i32
      %add3A_111 = arith.addi %add3A_110, %mul3A_2 : i32
      %mul3A_112 = arith.constant 128 : i32
      %mul3A_113 = arith.muli %add3A_97, %mul3A_112 : i32
      %add3A_114 = arith.addi %add3A_111, %mul3A_113 : i32
      %dma_start3A_115 = arith.constant 0 : i32
      %dma_start3A_116 = tpu.memref_slice %arg4[%add3A_114, %dma_start3A_115] : memref<262144x256xf32, #tpu.memory_space<hbm>> -> memref<128x256xf32, #tpu.memory_space<hbm>>
      %dma_start3A_117 = arith.constant 0 : i32
      %dma_start3A_118 = tpu.memref_slice %arg4[%add3A_114, %dma_start3A_117] : memref<262144x256xf32, #tpu.memory_space<hbm>> -> memref<128x256xf32, #tpu.memory_space<hbm>>
      tpu.enqueue_dma source(%arg8 : memref<128x256xf32, #tpu.memory_space<vmem>>) target(%dma_start3A_118 : memref<128x256xf32, #tpu.memory_space<hbm>>) target_semaphore(%arg9 : memref<!tpu.dma_semaphore, #tpu.memory_space<semaphore_mem>>)
    }
    %scan3A_61 = arith.constant 5 : i32
    %add3A_62 = arith.constant 221184 : i32
    %add3A_63 = arith.addi %add3A_62, %mul3A_2 : i32
    %dma_wait3A = arith.constant 0 : i32
    %dma_wait3A_64 = tpu.memref_slice %arg4[%add3A_63, %dma_wait3A] : memref<262144x256xf32, #tpu.memory_space<hbm>> -> memref<128x256xf32, #tpu.memory_space<hbm>>
    %dma_wait3A_65 = arith.constant 0 : i32
    %dma_wait3A_66 = tpu.memref_slice %arg4[%add3A_63, %dma_wait3A_65] : memref<262144x256xf32, #tpu.memory_space<hbm>> -> memref<128x256xf32, #tpu.memory_space<hbm>>
    tpu.wait_dma2 semaphore(%arg9 : memref<!tpu.dma_semaphore, #tpu.memory_space<semaphore_mem>>) src(%arg7 : memref<128x256xf32, #tpu.memory_space<vmem>>) dst(%dma_wait3A_66 : memref<128x256xf32, #tpu.memory_space<hbm>>)
    %add3A_67 = arith.constant 221184 : i32
    %add3A_68 = arith.addi %add3A_67, %mul3A_2 : i32
    %dma_wait3A_69 = arith.constant 0 : i32
    %dma_wait3A_70 = tpu.memref_slice %arg4[%add3A_68, %dma_wait3A_69] : memref<262144x256xf32, #tpu.memory_space<hbm>> -> memref<128x256xf32, #tpu.memory_space<hbm>>
    %dma_wait3A_71 = arith.constant 0 : i32
    %dma_wait3A_72 = tpu.memref_slice %arg4[%add3A_68, %dma_wait3A_71] : memref<262144x256xf32, #tpu.memory_space<hbm>> -> memref<128x256xf32, #tpu.memory_space<hbm>>
    tpu.wait_dma2 semaphore(%arg9 : memref<!tpu.dma_semaphore, #tpu.memory_space<semaphore_mem>>) src(%arg8 : memref<128x256xf32, #tpu.memory_space<vmem>>) dst(%dma_wait3A_72 : memref<128x256xf32, #tpu.memory_space<hbm>>)
    return
  }
}

module attributes {stable_mosaic.version = 14 : i64} {
  func.func @_tc_body(%arg0: i32, %arg1: memref<1x1x2048xi32, #tpu.memory_space<vmem>>, %arg2: memref<3x256xf32, #tpu.memory_space<vmem>>, %arg3: memref<262144x256xf32, #tpu.memory_space<any>>, %arg4: memref<2048x256xf32, #tpu.memory_space<vmem>>) attributes {dimension_semantics = [#tpu.dimension_semantics<arbitrary>], iteration_bounds = array<i64: 108>, scalar_prefetch = 0 : i64, scratch_operands = 0 : i64, tpu.core_type = #tpu.core_type<tc>, window_params = [{transform_indices = @transform_0, window_bounds = array<i64: 1, 1, 2048>}, {pipeline_mode = #tpu.pipeline_mode<synchronous>, transform_indices = @transform_1, window_bounds = array<i64: 3, 256>}, {}, {transform_indices = @transform_3, window_bounds = array<i64: 2048, 256>}]} {
    %get3A = arith.constant 0 : index
    %get3A_0 = arith.constant 0 : index
    %get3A_1 = arith.constant 0 : index
    %get3A_2 = vector.load %arg1[%get3A, %get3A_0, %get3A_1] : memref<1x1x2048xi32, #tpu.memory_space<vmem>>, vector<1x1x2048xi32>
    %get3A_3 = vector.shape_cast %get3A_2 : vector<1x1x2048xi32> to vector<2048xi32>
    %sub3A = arith.constant 1 : i32
    %sub3A_4 = vector.broadcast %sub3A : i32 to vector<2048xi32>
    %sub3A_5 = arith.subi %get3A_3, %sub3A_4 : vector<2048xi32>
    %jit3A = arith.constant 0 : i32
    %jit3A_6 = arith.constant 2 : i32
    %max3A = vector.broadcast %jit3A : i32 to vector<2048xi32>
    %max3A_7 = arith.maxsi %max3A, %sub3A_5 : vector<2048xi32>
    %min3A = vector.broadcast %jit3A_6 : i32 to vector<2048xi32>
    %min3A_8 = arith.minsi %min3A, %max3A_7 : vector<2048xi32>
    %broadcast_in_dim3A = vector.shape_cast %min3A_8 : vector<2048xi32> to vector<2048x1xi32>
    %get3A_9 = arith.constant 0 : index
    %get3A_10 = arith.constant 0 : index
    %get3A_11 = vector.load %arg2[%get3A_9, %get3A_10] : memref<3x256xf32, #tpu.memory_space<vmem>>, vector<1x256xf32>
    %get3A_12 = arith.constant 1 : index
    %get3A_13 = arith.constant 0 : index
    %get3A_14 = vector.load %arg2[%get3A_12, %get3A_13] : memref<3x256xf32, #tpu.memory_space<vmem>>, vector<1x256xf32>
    %get3A_15 = arith.constant 2 : index
    %get3A_16 = arith.constant 0 : index
    %get3A_17 = vector.load %arg2[%get3A_15, %get3A_16] : memref<3x256xf32, #tpu.memory_space<vmem>>, vector<1x256xf32>
    %eq3A = arith.constant 0 : i32
    %eq3A_18 = vector.broadcast %eq3A : i32 to vector<2048x1xi32>
    %eq3A_19 = arith.cmpi eq, %broadcast_in_dim3A, %eq3A_18 : vector<2048x1xi32>
    %eq3A_20 = arith.constant 1 : i32
    %eq3A_21 = vector.broadcast %eq3A_20 : i32 to vector<2048x1xi32>
    %eq3A_22 = arith.cmpi eq, %broadcast_in_dim3A, %eq3A_21 : vector<2048x1xi32>
    %broadcast_in_dim3A_23 = vector.shape_cast %eq3A_22 : vector<2048x1xi1> to vector<2048x1xi1>
    %broadcast_in_dim3A_24 = vector.broadcast %broadcast_in_dim3A_23 : vector<2048x1xi1> to vector<2048x256xi1>
    %broadcast_in_dim3A_25 = vector.shape_cast %get3A_14 : vector<1x256xf32> to vector<1x256xf32>
    %broadcast_in_dim3A_26 = vector.broadcast %broadcast_in_dim3A_25 : vector<1x256xf32> to vector<2048x256xf32>
    %broadcast_in_dim3A_27 = vector.shape_cast %get3A_17 : vector<1x256xf32> to vector<1x256xf32>
    %broadcast_in_dim3A_28 = vector.broadcast %broadcast_in_dim3A_27 : vector<1x256xf32> to vector<2048x256xf32>
    %select_n3A = arith.select %broadcast_in_dim3A_24, %broadcast_in_dim3A_26, %broadcast_in_dim3A_28 : vector<2048x256xi1>, vector<2048x256xf32>
    %broadcast_in_dim3A_29 = vector.shape_cast %eq3A_19 : vector<2048x1xi1> to vector<2048x1xi1>
    %broadcast_in_dim3A_30 = vector.broadcast %broadcast_in_dim3A_29 : vector<2048x1xi1> to vector<2048x256xi1>
    %broadcast_in_dim3A_31 = vector.shape_cast %get3A_11 : vector<1x256xf32> to vector<1x256xf32>
    %broadcast_in_dim3A_32 = vector.broadcast %broadcast_in_dim3A_31 : vector<1x256xf32> to vector<2048x256xf32>
    %select_n3A_33 = arith.select %broadcast_in_dim3A_30, %broadcast_in_dim3A_32, %select_n3A : vector<2048x256xi1>, vector<2048x256xf32>
    %swap3A = arith.constant 0 : index
    %swap3A_34 = arith.constant 0 : index
    %swap3A_35 = vector.load %arg4[%swap3A, %swap3A_34] : memref<2048x256xf32, #tpu.memory_space<vmem>>, vector<2048x256xf32>
    tpu.vector_store %arg4[%swap3A, %swap3A_34], %select_n3A_33 {strides = array<i32>} : memref<2048x256xf32, #tpu.memory_space<vmem>>, vector<2048x256xf32>,
    return
  }
  func.func @transform_0(%arg0: i32) -> (i32, i32, i32) {
    %c0_i32 = arith.constant 0 : i32
    %c0_i32_0 = arith.constant 0 : i32
    %c0_i32_1 = arith.constant 0 : i32
    return %arg0, %c0_i32, %c0_i32_0 : i32, i32, i32
  }
  func.func @transform_1(%arg0: i32) -> (i32, i32) {
    %c0_i32 = arith.constant 0 : i32
    %c0_i32_0 = arith.constant 0 : i32
    %c0_i32_1 = arith.constant 0 : i32
    return %c0_i32, %c0_i32_0 : i32, i32
  }
  func.func @transform_3(%arg0: i32) -> (i32, i32) {
    %c0_i32 = arith.constant 0 : i32
    %c0_i32_0 = arith.constant 0 : i32
    return %arg0, %c0_i32 : i32, i32
  }
}

</mosaic_0001>

<sc_bundles>
// kernel: kernel.4.cloned.1.call-start
scs
__scs_entry_jumppad:
0x0: {  	(pc) =	sbr.rel $0x88, $3  }
0x1: {  	(tag) =	ssettag $0x0;
	lr =	simm.s32 $0x1  }
0x2: {  	[smem:$0x3F9F] =	sst lr;
	_ =	strace $0xD0000000  }
0x3: {  	_ = 	snop  }
0x4: {  	_ = 	snop  }
0x5: {  	_ = 	snop  }
0x6: {  	_ = 	snop  }
0x7: {  	_ = 	snop  }
__scs_overlays_trampoline_lowered:
0x8: {  	[smem:$0x3FAE] =	sst s0  }
0x9: {  	[smem:$0x3FAF] =	sst s1  }
0xa: {  	[smem:$0x3FB0] =	sst s2  }
0xb: {  	[smem:$0x3FB1] =	sst s3  }
0xc: {  	[smem:$0x3FB2] =	sst s4  }
0xd: {  	[smem:$0x3FB3] =	sst s5  }
0xe: {  	[smem:$0x3FB4] =	sst s6  }
0xf: {  	[smem:$0x3FB5] =	sst s7  }
0x10: {  	[smem:$0x3FB6] =	sst s8  }
0x11: {  	[smem:$0x3FB7] =	sst s9;
	s0 =	simm.s32 @!p0 $0x0  }
0x12: {  	s1 =	sld [smem:$0x3F9D];
	s0 =	simm.s32 @p0 $0x1  }
0x13: {  	[smem:$0x3FB8] =	sst s0;
	s0 =	simm.s32 @!p1 $0x0  }
0x14: {  	s2 =	sld [smem:$0x3F9C];
	s0 =	simm.s32 @p1 $0x1  }
0x15: {  	[smem:$0x3FB9] =	sst s0;
	s0 =	simm.s32 @!p2 $0x0  }
0x16: {  	s3 =	sld [smem:$0x3FDB];
	s0 =	simm.s32 @p2 $0x1  }
0x17: {  	s4 =	simm.s32 $0x1BF5;
	[smem:$0x3FBB] =	sst s0  }
0x18: {  	s0 =	sld [smem:$0x3F9E];
	_ =	swait.ge [sflag:s4], $0x0  }
0x19: {  	s7 =	sld [smem:$0x3F9F]  }
0x1a: {  	s8 =	sadd.s32 $0xFFFFE003, lr  }
0x1b: {  	s9 =	sadd.s32 $0xFFFFFEF7, lr;
	s5 =	simm.s32 $0xFFFFFFFF;
	p2 =	slt.u32 s8, $0xFFFFF086  }
0x1c: {  	p1 =	slt.u32 s9, $0xF7A;
	s5 =	simm.s32 @!p2 $0x0  }
0x1d: {  	s5 =	simm.s32 @p1 $0x1;
	p0 =	seq.s32 s7, s2  }
0x1e: {  	s7 =	smul.u32 @!p0 $0xF7A, s2;
	p2 =	seq.s32 @!p0 s5, $0x0  }
0x1f: {  	s9 =	smul.u32 $0xF7A, s1;
	s8 =	simm.s32 @!p0 $0x1BF5;
	p2 =	por !p2, p0  }
0x20: {  	[sflag:s8] =	ssyncset.s32 @!p0 $0xFFFFF086;
	s6 =	sadd.s32 @!p0 s3, s7;
	s7 =	simm.s32 @!p0 $0x108  }
0x21: {  	s3 =	sadd.s32 s3, s9;
	s6 =	sadd.s32 @!p0 $0x88, s6;
	s7 =	simm.s32 @p2 $0x1082  }
0x22: {  	[simem:s7], [sflag:s8] =	dma.local @!p0 [hbm:s6], $0xF7A  }
0x23: {  	s9 =	sor.u32 $0xD0000000, s2;
	s6 =	simm.s32 $0x108;
	_ =	swait.ge @!p0 [sflag:s8], $0x0  }
0x24: {  	s3 =	sadd.s32 $0x88, s3;
	s6 =	simm.s32 @!p1 $0x1082;
	[sflag:s4] =	ssyncset.s32 $0xFFFFF086  }
0x25: {  	[simem:s6], [sflag:s4] =	dma.local [hbm:s3], $0xF7A  }
0x26: {  	[smem:$0x3F9F] =	sst s1;
	(tag) =	ssettag s2;
	_ =	strace s9  }
0x27: {  	s1 =	sld [smem:$0x3FAF]  }
0x28: {  	s2 =	sld [smem:$0x3FB0]  }
0x29: {  	s4 =	sld [smem:$0x3FB2]  }
0x2a: {  	p0 =	seq.s32 s5, $0x0;
	s5 =	sld [smem:$0x3FB3]  }
0x2b: {  	s6 =	sld [smem:$0x3FB4]  }
0x2c: {  	s7 =	sld [smem:$0x3FB5]  }
0x2d: {  	s3 =	simm.s32 $0x108;
	s8 =	sld [smem:$0x3FB6]  }
0x2e: {  	s3 =	simm.s32 @!p0 $0x1082;
	s9 =	sld [smem:$0x3FB7]  }
0x2f: {  	lr =	sadd.s32 s0, s3;
	s0 =	sld [smem:$0x3FAE]  }
0x30: {  	s3 =	sld [smem:$0x3FB1]  }
0x31: {  	[smem:$0x3FBA] =	sst s10  }
0x32: {  	s10 =	sld [smem:$0x3FB8];
	_ =	sdelay $0x3  }
0x33: {  	p0 =	seq.s32 s10, $0x1;
	s10 =	sld [smem:$0x3FBA];
	_ =	sdelay $0x3  }
0x34: {  	[smem:$0x3FBA] =	sst s10  }
0x35: {  	s10 =	sld [smem:$0x3FB9];
	_ =	sdelay $0x3  }
0x36: {  	p1 =	seq.s32 s10, $0x1;
	s10 =	sld [smem:$0x3FBA];
	_ =	sdelay $0x3  }
0x37: {  	[smem:$0x3FBA] =	sst s10  }
0x38: {  	s10 =	sld [smem:$0x3FBB]  }
0x39: {  	_ = 	snop;
	(pc) =	sbr.ind lr, $3  }
0x3a: {  	_ = 	snop  }
0x3b: {  	_ = 	snop  }
0x3c: {  	p2 =	seq.s32 s10, $0x1;
	s10 =	sld [smem:$0x3FBA]  }
0x3d: {  	_ =	shalt  }
0x3e: {  	_ =	shalt  }
0x3f: {  	_ =	shalt  }
0x40: {  	_ =	shalt  }
0x41: {  	_ =	shalt  }
0x42: {  	_ =	shalt  }
0x43: {  	_ =	shalt  }
0x44: {  	_ =	shalt  }
0x45: {  	_ =	shalt  }
0x46: {  	_ =	shalt  }
0x47: {  	_ =	shalt  }
0x48: {  	_ =	shalt  }
0x49: {  	_ =	shalt  }
0x4a: {  	_ =	shalt  }
0x4b: {  	_ =	shalt  }
0x4c: {  	_ =	shalt  }
0x4d: {  	_ =	shalt  }
0x4e: {  	_ =	shalt  }
0x4f: {  	_ =	shalt  }
0x50: {  	_ =	shalt  }
0x51: {  	_ =	shalt  }
0x52: {  	_ =	shalt  }
0x53: {  	_ =	shalt  }
0x54: {  	_ =	shalt  }
0x55: {  	_ =	shalt  }
0x56: {  	_ =	shalt  }
0x57: {  	_ =	shalt  }
0x58: {  	_ =	shalt  }
0x59: {  	_ =	shalt  }
0x5a: {  	_ =	shalt  }
0x5b: {  	_ =	shalt  }
0x5c: {  	_ =	shalt  }
0x5d: {  	_ =	shalt  }
0x5e: {  	_ =	shalt  }
0x5f: {  	_ =	shalt  }
0x60: {  	_ =	shalt  }
0x61: {  	_ =	shalt  }
0x62: {  	_ =	shalt  }
0x63: {  	_ =	shalt  }
0x64: {  	_ =	shalt  }
0x65: {  	_ =	shalt  }
0x66: {  	_ =	shalt  }
0x67: {  	_ =	shalt  }
0x68: {  	_ =	shalt  }
0x69: {  	_ =	shalt  }
0x6a: {  	_ =	shalt  }
0x6b: {  	_ =	shalt  }
0x6c: {  	_ =	shalt  }
0x6d: {  	_ =	shalt  }
0x6e: {  	_ =	shalt  }
0x6f: {  	_ =	shalt  }
0x70: {  	_ =	shalt  }
0x71: {  	_ =	shalt  }
0x72: {  	_ =	shalt  }
0x73: {  	_ =	shalt  }
0x74: {  	_ =	shalt  }
0x75: {  	_ =	shalt  }
0x76: {  	_ =	shalt  }
0x77: {  	_ =	shalt  }
0x78: {  	_ =	shalt  }
0x79: {  	_ =	shalt  }
0x7a: {  	_ =	shalt  }
0x7b: {  	_ =	shalt  }
0x7c: {  	_ =	shalt  }
0x7d: {  	_ =	shalt  }
0x7e: {  	_ =	shalt  }
0x7f: {  	_ =	shalt  }
0x80: {  	_ =	shalt  }
0x81: {  	_ =	shalt  }
0x82: {  	_ =	shalt  }
0x83: {  	_ =	shalt  }
0x84: {  	_ =	shalt  }
0x85: {  	_ =	shalt  }
0x86: {  	_ =	shalt  }
0x87: {  	_ =	shalt  }
.Lfunc_end0:
.L_simem_size_0:
called_computation_lowered:
.L_overlay_start_0:
0x88: {  	s2 =	sld [smem:$0x3FD9]  }
0x89: {  	s3 =	sld [smem:$0x3FFE];
	_ =	sdelay $0x1  }
0x8a: {  	s1 =	srdreg.scid  }
0x8b: {  	s0 =	sand.u32 $0x1, s1  }
0x8c: {  	s17 =	sshll.u32 s0, $0xA;
	s2 =	sadd.s32 s3, s2  }
0x8d: {  	s2 =	sadd.s32 s2, s17  }
0x8e: {  	[smem:$0x3FC6] =	sst s2  }
0x8f: {  	_ = 	snop  }
0x90: {  	s2 =	sld [smem:$0x3FD0];
	(tm) =	ssettm $0x1  }
0x91: {  	s18 =	sld [smem:$0x3FFB];
	_ =	sdelay $0x3  }
0x92: {  	_ =	strace s18  }
0x93: {  	s3 =	sld [smem:$0x3FFC];
	_ =	sdelay $0x3  }
0x94: {  	_ =	strace s3  }
0x95: {  	s3 =	sld [smem:$0x3FFD];
	_ =	sdelay $0x3  }
0x96: {  	_ =	strace s3  }
0x97: {  	_ =	strace $0x8FFFFFFF  }
0x98: {  	s19 =	sld [smem:$0x3FDB];
	_ =	sdelay $0x1  }
0x99: {  	s4 =	simm.s32 $_scs_section_size  }
0x9a: {  	s5 =	simm.s32 $_size__tile_overlayer_lowered;
	s6 =	simm.s32 $_tile_overlayer_lowered  }
0x9b: {  	s22 =	simm.s32 $0x1BFF;
	s21 =	sshll.u32 s6, $0x1;
	s3 =	sadd.s32 s4, s19  }
0x9c: {  	s7 =	simm.s32 $0x0;
	s20 =	sshll.u32 s5, $0x1;
	s5 =	sadd.s32 s21, s3  }
0x9d: {  	[timem:s7], [sflag:s22] =	dma.local [hbm:s5], s20  }
0x9e: {  	_ =	swait.ge [sflag:s22], s20  }
0x9f: {  	s4 =	ssub.s32 $0x0, s20;
	[sflag:s22] =	ssyncset.done $0x0  }
0xa0: {  	[sflag:s22] =	ssyncadd.s32 s4;
	_ =	sdelay $0x1  }
0xa1: {  	s23 =	simm.s32 $0x1B8B  }
0xa2: {  	_ =	swait.ge [sflag:s23], $0x1  }
0xa3: {  	[sflag:s23] =	ssyncset.done $0x0  }
0xa4: {  	s25 =	simm.s32 $0x1B8E;
	s24 =	sld [smem:$0x3FFE];
	[sflag:s23] =	ssyncadd.s32 $0xFFFFFFFF  }
0xa5: {  	s26 =	simm.s32 $execute0_lowered;
	[smem:$0x3FD2] =	sst s25  }
0xa6: {  	s5 =	sshll.u32 s26, $0x1;
	_ =	strace $0x80000046;
	[dreg:$0x1] =	wrdreg $0xFFFFFFFF  }
0xa7: {  	s28 =	simm.s32 $_size_execute0_lowered;
	s3 =	sadd.s32 s3, s5;
	[dreg:$0x0] =	wrdreg $0x0  }
0xa8: {  	s5 =	sshll.u32 s28, $0x1;
	[dreg:$0x2] =	wrdreg s3  }
0xa9: {  	[dreg:$0x3] =	wrdreg s5  }
0xaa: {  	[dreg:$0x4] =	wrdreg $0xC0  }
0xab: {  	_ =	task [dreg:s7], $0x5FFFF  }
0xac: {  	[dreg:$0x1] =	wrdreg $0xFFFFFFFF  }
0xad: {  	[dreg:$0x0] =	wrdreg $0x60  }
0xae: {  	[dreg:$0x2] =	wrdreg s24  }
0xaf: {  	[dreg:$0x3] =	wrdreg s2  }
0xb0: {  	[dreg:$0x4] =	wrdreg $0x9  }
0xb1: {  	_ =	task.clear_ibuf [dreg:s7], $0x5FFFF;
	_ =	strace $0x90000046  }
0xb2: {  	s29 =	simm.s32 $0x9;
	_ =	strace $0x80000048  }
0xb3: {  	_ =	swait.ge [sflag:s29], $0x1  }
0xb4: {  	[sflag:s29] =	ssyncadd.s32 $0xFFFFFFFF  }
0xb5: {  	_ =	strace $0x90000048  }
0xb6: {  	_ =	sfence  }
0xb7: {  	s30 =	sld [smem:$0x0];
	_ =	sdelay $0x2  }
0xb8: {  	s31 =	sshll.u32 s1, $0xD;
	s1 =	sshrl.u32 s1, $0x2  }
0xb9: {  	s3 =	sand.u32 $0x4000, s31;
	s1 =	sadd.s32 s1, s30  }
0xba: {  	s0 =	sor.u32 s3, s0;
	s1 =	sshll.u32 s1, $0x11  }
0xbb: {  	s0 =	sor.u32 s1, s0  }
0xbc: {  	s0 =	sadd.s32 $0x8F2B, s0  }
0xbd: {  	[sflag:s0] =	ssyncadd.remote.s32 $0x1  }
0xbe: {  	_ =	sfence.sel $0xFFFF  }
0xbf: {  	[dreg:$0x0] =	wrdreg $0xFFFFFFFF;
	(pc) =	sbr.abs _section_cstart, $3  }
0xc0: {  	[dreg:$0x1] =	wrdreg $0xFFFFFFFF  }
0xc1: {  	_ =	task.clear_ibuf [dreg:s7], $0x2FFFF;
	_ =	strace $0x9FFFFFFF  }
0xc2: {  	(tm) =	ssettm $0x7FFFFFFF  }
0xc3: {  	_ =	shalt  }
tec
execute0_lowered:
.L_overlay_start_1:
0x0: {  	(tag) =	ssettag $0x1  }
0x1: {  	s0 =	srdreg.scid;
	s2 =	stileid.u32  }
0x2: {  	s1 =	rddreg [dreg:$0x0];
	s0 =	sand.u32 $0x1, s0;
	s2 =	sshll.u32 s2, $0x1  }
0x3: {  	s29 =	simm.s32 $0x0;
	s2 =	sor.u32 s0, s2;
	s0 =	ssub.s32 $0x2, s0  }
0x4: {  	s31 =	simm.s32 $0x0;
	[smem:$0x7FF] =	sst s29;
	s4 =	sshrl.u32 s0, $0x1  }
0x5: {  	v0 =	vlaneseq.u32;
	_ =	strace $0x80000047;
	s2 =	smul.u32 $0x500, s2;
	s0 =	ssub.s32 s0, s4  }
.Ltmp0:
0x6: {  	v1 =	vor.u32 $0x10, v0;
	v2 =	vor.u32 $0x20, v0;
	v3 =	vor.u32 $0x30, v0;
	[dreg:$0x1e] =	wrdreg s31;
	s0 =	smax.u32 s0, $0x1;
	(pc) =	sbr.rel .LBB2_1-.Ltmp0, $4  }
0x7: {  	v4 =	vor.u32 $0x40, v0;
	v5 =	vor.u32 $0x50, v0;
	v6 =	vor.u32 $0x60, v0;
	s3 =	sshrl.u32 s2, $0x3;
	s14 =	sadd.s32 $0x36000, s2;
	[dreg:$0x1d] =	wrdreg s0  }
0x8: {  	v7 =	vor.u32 $0x70, v0;
	v8 =	vor.u32 $0x80, v0;
	v9 =	vor.u32 $0x90, v0;
	s3 =	sadd.s32 s3, s1;
	s1 =	sadd.s32 $0x800, s1;
	[dreg:$0x1c] =	wrdreg s14  }
0x9: {  	v10 =	vor.u32 $0xA0, v0;
	v11 =	vor.u32 $0xB0, v0;
	v12 =	vor.u32 $0xC0, v0;
	[dreg:$0x1a] =	wrdreg s1;
	s30 =	sadd.s32 $0xA00, s3  }
0xa: {  	s8 =	simm.s32 $0x500;
	v13 =	vor.u32 $0xD0, v0;
	v14 =	vor.u32 $0xE0, v0;
	v15 =	vor.u32 $0xF0, v0;
	[dreg:$0x1b] =	wrdreg s30  }
.LBB2_21:
0xb: {  	s1 =	simm.s32 $0x1  }
0xc: {  	_ =	swait.ge [sflag:s1], $0x8000  }
0xd: {  	[sflag:s1] =	ssyncset.done $0x0  }
0xe: {  	[sflag:s1] =	ssyncadd.s32 $0xFFFF8000  }
0xf: {  	_ =	swait.ge [sflag:s1], $0x8000  }
0x10: {  	s2 =	rddreg [dreg:$0x1e]  }
0x11: {  	s0 =	rddreg [dreg:$0x1d];
	s2 =	sadd.s32 $0x1, s2  }
0x12: {  	p0 =	sne.s32 s2, s0  }
.Ltmp1:
0x13: {  	_ = 	snop;
	(pc) =	sbr.rel @!p0 .LBB2_22-.Ltmp1, $3  }
0x14: {  	_ =	sdelay $0x1  }
0x15: {  	[sflag:s1] =	ssyncset.done $0x0  }
0x16: {  	[sflag:s1] =	ssyncadd.s32 $0xFFFF8000;
	[dreg:$0x1e] =	wrdreg s2  }
.LBB2_1:
0x17: {  	s0 =	rddreg [dreg:$0x1a];
	s1 =	simm.s32 $0x2  }
0x18: {  	[tilespmem:s8], [sflag:$0x2] =	stream.linear.gather [hbm4b:s0+s29], $0x300, $0x38;
	[tilespmem:$0x10800] =	vst v63  }
0x19: {  	_ =	swait.ge [sflag:s1], $0x300  }
0x1a: {  	[sflag:s1] =	ssyncset.done $0x0  }
0x1b: {  	s31 =	rddreg [dreg:$0x1b];
	[sflag:s1] =	ssyncadd.s32 $0xFFFFFD00  }
0x1c: {  	[tilespmem:s29], [sflag:$0x2] =	stream.linear.gather [hbm4b:s31+s29], $0x500, $0x38;
	[tilespmem:$0x10800] =	vst v63  }
0x1d: {  	_ =	swait.ge [sflag:s1], $0x500  }
0x1e: {  	[sflag:s1] =	ssyncset.done $0x0  }
0x1f: {  	s0 =	simm.s32 $0x0;
	[sflag:s1] =	ssyncadd.s32 $0xFFFFFB00;
	s1 =	simm.s32 $0x40  }
.LBB2_2:
0x20: {  	p0 =	sne.s32 s1, $0x13C0;
	v16 =	vld [tilespmem:s0+$0x0];
	_ =	sdelay $0x4  }
0x21: {  	v16 =	vadd.s32 $0xFFFFFFFF, v16  }
.Ltmp2:
0x22: {  	vm0 =	vgt.s32 v16, $0x0;
	(pc) =	sbr.rel @p0 .LBB2_2-.Ltmp2, $4  }
0x23: {  	v16 =	vnsel vm0, $0x0, v16  }
0x24: {  	v16 =	vmin.u32 v16, $0x2  }
0x25: {  	v16 =	vshll.u32 v16, $0x8  }
0x26: {  	[tilespmem:s0+$0x0] =	vst v16;
	s0 =	sshra.s32 s1, $0x2;
	s1 =	sadd.s32 $0x40, s1  }
0x27: {  	v16 =	vld [tilespmem:s0+$0x0];
	_ =	sdelay $0x4  }
0x28: {  	v16 =	vadd.s32 $0xFFFFFFFF, v16  }
0x29: {  	vm0 =	vgt.s32 v16, $0x0  }
0x2a: {  	v16 =	vnsel vm0, $0x0, v16  }
0x2b: {  	v16 =	vmin.u32 v16, $0x2  }
0x2c: {  	s11 =	simm.s32 $0x0;
	v16 =	vshll.u32 v16, $0x8  }
0x2d: {  	s18 =	simm.s32 $0x180;
	s10 =	simm.s32 $0x4180;
	s1 =	simm.s32 $0x0;
	[tilespmem:s0+$0x0] =	vst v16  }
.LBB2_4:
0x2e: {  	p0 =	seq.s32 s1, $0x0  }
0x2f: {  	s2 =	sshll.u32 s1, $0x8;
	s0 =	simm.s32 @!p0 $0x1  }
0x30: {  	v16 =	vmov s2;
	s30 =	sadd.s32 $0x1, s2;
	_ =	swait.ge @!p0 [sflag:s0], $0x8000  }
0x31: {  	v16 =	vand.u32 $0xFFFFFFFC, v16;
	v17 =	vmov s30;
	[smem:$0x7FD] =	sst s1;
	s1 =	sadd.s32 $0x3, s2  }
0x32: {  	v16 =	vbroadcast v16, $0x0;
	v17 =	vand.u32 $0xFFFFFFFD, v17;
	v18 =	vmov s1  }
0x33: {  	[sflag:s0] =	ssyncset.done @!p0 $0x0;
	v17 =	vbroadcast v17, $0x0  }
0x34: {  	s19 =	sor.u32 $0x80, s2;
	[sflag:s0] =	ssyncadd.s32 @!p0 $0xFFFF8000;
	s0 =	sadd.s32 $0x4, s2  }
0x35: {  	p3 =	slt.u32 s0, s19  }
.Ltmp3:
0x36: {  	[smem:$0x7FC] =	sst s10;
	(pc) =	sbr.rel @!p3 .LBB2_5-.Ltmp3, $4  }
0x37: {  	s31 =	sadd.s32 $0x2, s2;
	v19 =	vld.idx.msk [tilespmem:v18+s29+$0x0], $0xffff;
	[smem:$0x7FB] =	sst s2  }
0x38: {  	v18 =	vmov s31;
	v20 =	vld.idx.msk [tilespmem:v16+s29+$0x0], $0xffff  }
0x39: {  	p2 =	por $0x0, $0x0;
	v16 =	vand.u32 $0xFFFFFFFE, v18;
	v21 =	vld.idx.msk [tilespmem:v17+s29+$0x0], $0xffff;
	[dreg:$0x1f] =	wrdreg s18  }
0x3a: {  	p1 =	por $0x0, $0x0;
	p4 =	por $0x0, $0x0;
	[dreg:$0x3] =	wrdreg s19;
	v32 =	vbroadcast v16, $0x0  }
0x3b: {  	_ =	sdelay $0x4  }
0x3c: {  	v22 =	vld.idx.msk [tilespmem:v32+s29+$0x0], $0xffff;
	_ =	sdelay $0x2  }
0x3d: {  	v23 =	vadd.s32 v0, v19;
	_ =	sdelay $0x1  }
0x3e: {  	v16 =	vadd.s32 v0, v22  }
0x3f: {  	v17 =	vadd.s32 v0, v21  }
0x40: {  	v18 =	vadd.s32 v0, v20  }
0x41: {  	v23 =	vld.idx.msk [tilespmem:v23+s8+$0x0], $0xffff  }
0x42: {  	v27 =	vadd.s32 v1, v19  }
0x43: {  	s1 =	sand.u32 $0xFFFFF800, s11;
	v16 =	vld.idx.msk [tilespmem:v16+s8+$0x0], $0xffff  }
0x44: {  	s16 =	sand.u32 $0x380, s18;
	s1 =	sadd.s32 $0x800, s1;
	v24 =	vadd.s32 v1, v22;
	v17 =	vld.idx.msk [tilespmem:v17+s8+$0x0], $0xffff  }
0x45: {  	s2 =	sadd.s32 $0xFFFFFF80, s18;
	s28 =	sor.u32 s16, s1;
	v25 =	vadd.s32 v1, v21;
	v18 =	vld.idx.msk [tilespmem:v18+s8+$0x0], $0xffff  }
0x46: {  	s3 =	sadd.s32 $0xFFFFFF00, s18;
	s2 =	sand.u32 $0x300, s2;
	v26 =	vadd.s32 v1, v20;
	[tilespmem:s28+$0x0] =	vst v23  }
0x47: {  	s4 =	sadd.s32 $0xFFFFFE80, s18;
	s3 =	sand.u32 $0x280, s3;
	s25 =	sor.u32 s2, s1;
	v23 =	vld.idx.msk [tilespmem:v27+s8+$0x0], $0xffff  }
0x48: {  	s15 =	sand.u32 $0x200, s4;
	s26 =	sor.u32 s3, s1;
	v27 =	vadd.s32 v2, v19;
	[tilespmem:s25+$0x0] =	vst v16  }
0x49: {  	s24 =	sor.u32 s15, s1;
	[tilespmem:s26+$0x0] =	vst v17;
	v16 =	vld.idx.msk [tilespmem:v24+s8+$0x0], $0xffff  }
0x4a: {  	[tilespmem:s24+$0x0] =	vst v18;
	v18 =	vadd.s32 v2, v22;
	v17 =	vld.idx.msk [tilespmem:v25+s8+$0x0], $0xffff  }
0x4b: {  	v25 =	vadd.s32 v2, v21;
	v24 =	vld.idx.msk [tilespmem:v26+s8+$0x0], $0xffff  }
0x4c: {  	v26 =	vadd.s32 v2, v20;
	[tilespmem:s28+$0x10] =	vst v23  }
0x4d: {  	v23 =	vld.idx.msk [tilespmem:v27+s8+$0x0], $0xffff  }
0x4e: {  	v27 =	vadd.s32 v3, v19;
	[tilespmem:s25+$0x10] =	vst v16  }
0x4f: {  	[tilespmem:s26+$0x10] =	vst v17;
	v16 =	vld.idx.msk [tilespmem:v18+s8+$0x0], $0xffff  }
0x50: {  	v17 =	vld.idx.msk [tilespmem:v25+s8+$0x0], $0xffff;
	[tilespmem:s24+$0x10] =	vst v24;
	v18 =	vadd.s32 v3, v22  }
0x51: {  	v25 =	vadd.s32 v3, v21;
	v24 =	vld.idx.msk [tilespmem:v26+s8+$0x0], $0xffff  }
0x52: {  	v26 =	vadd.s32 v3, v20;
	[tilespmem:s28+$0x20] =	vst v23  }
0x53: {  	v23 =	vld.idx.msk [tilespmem:v27+s8+$0x0], $0xffff  }
0x54: {  	v27 =	vadd.s32 v4, v19;
	[tilespmem:s25+$0x20] =	vst v16  }
0x55: {  	[tilespmem:s26+$0x20] =	vst v17;
	v16 =	vld.idx.msk [tilespmem:v18+s8+$0x0], $0xffff  }
0x56: {  	v17 =	vld.idx.msk [tilespmem:v25+s8+$0x0], $0xffff;
	[tilespmem:s24+$0x20] =	vst v24;
	v18 =	vadd.s32 v4, v22  }
0x57: {  	v25 =	vadd.s32 v4, v21;
	v24 =	vld.idx.msk [tilespmem:v26+s8+$0x0], $0xffff  }
0x58: {  	v26 =	vadd.s32 v4, v20;
	[tilespmem:s28+$0x30] =	vst v23  }
0x59: {  	v23 =	vld.idx.msk [tilespmem:v27+s8+$0x0], $0xffff  }
0x5a: {  	v27 =	vadd.s32 v5, v19;
	[tilespmem:s25+$0x30] =	vst v16  }
0x5b: {  	[tilespmem:s26+$0x30] =	vst v17;
	v16 =	vld.idx.msk [tilespmem:v18+s8+$0x0], $0xffff  }
0x5c: {  	v17 =	vld.idx.msk [tilespmem:v25+s8+$0x0], $0xffff;
	[tilespmem:s24+$0x30] =	vst v24;
	v18 =	vadd.s32 v5, v22  }
0x5d: {  	v25 =	vadd.s32 v5, v21;
	v24 =	vld.idx.msk [tilespmem:v26+s8+$0x0], $0xffff  }
0x5e: {  	v26 =	vadd.s32 v5, v20;
	[tilespmem:s28+$0x40] =	vst v23  }
0x5f: {  	v27 =	vld.idx.msk [tilespmem:v27+s8+$0x0], $0xffff  }
0x60: {  	s17 =	sadd.s32 $0x3, s0;
	v30 =	vadd.s32 v6, v19;
	[tilespmem:s25+$0x40] =	vst v16  }
0x61: {  	[tilespmem:s26+$0x40] =	vst v17;
	v16 =	vmov s17;
	v17 =	vld.idx.msk [tilespmem:v18+s8+$0x0], $0xffff  }
0x62: {  	[tilespmem:s24+$0x40] =	vst v24;
	v24 =	vadd.s32 v6, v22;
	v18 =	vld.idx.msk [tilespmem:v25+s8+$0x0], $0xffff;
	v25 =	vmov s0  }
0x63: {  	v28 =	vadd.s32 v6, v21;
	v26 =	vld.idx.msk [tilespmem:v26+s8+$0x0], $0xffff;
	v23 =	vand.u32 $0xFFFFFFFC, v25  }
0x64: {  	v29 =	vadd.s32 v6, v20;
	[tilespmem:s28+$0x50] =	vst v27;
	v23 =	vbroadcast v23, $0x0  }
0x65: {  	s20 =	sadd.s32 $0x1, s0;
	s21 =	sand.u32 $0x7, s11;
	v30 =	vld.idx.msk [tilespmem:v30+s8+$0x0], $0xffff  }
0x66: {  	s22 =	sshll.u32 s21, $0x7;
	v25 =	vmov s20;
	v16 =	vld.idx.msk [tilespmem:v16+s29+$0x0], $0xffff;
	[tilespmem:s25+$0x50] =	vst v17  }
0x67: {  	s1 =	simm.s32 $0x1;
	s2 =	sadd.s32 $0x0, s22;
	v25 =	vand.u32 $0xFFFFFFFD, v25;
	[tilespmem:s26+$0x50] =	vst v18;
	v24 =	vld.idx.msk [tilespmem:v24+s8+$0x0], $0xffff  }
0x68: {  	s1 =	simm.s32 @!p2 $0x0;
	s6 =	sadd.s32 $0x80, s2;
	v25 =	vbroadcast v25, $0x0;
	[tilespmem:s24+$0x50] =	vst v26;
	v28 =	vld.idx.msk [tilespmem:v28+s8+$0x0], $0xffff  }
0x69: {  	s2 =	sadd.s32 $0x180, s2;
	s1 =	sshll.u32 s1, $0x9;
	s23 =	sor.u32 $0x440, s6;
	v29 =	vld.idx.msk [tilespmem:v29+s8+$0x0], $0xffff  }
0x6a: {  	s4 =	sadd.s32 $0x0, s1;
	s1 =	sor.u32 $0x450, s6;
	v17 =	vld.idx.msk [tilespmem:v23+s29+$0x0], $0xffff;
	[smem:$0x7F6] =	sst s23  }
0x6b: {  	s10 =	sor.u32 $0x450, s2;
	v26 =	vadd.s32 v7, v22;
	[smem:$0x7F7] =	sst s1  }
0x6c: {  	p1 =	por $0x1, $0x1;
	s22 =	sor.u32 $0x400, s6;
	[smem:$0x7F8] =	sst s10  }
0x6d: {  	s14 =	sor.u32 $0x400, s2;
	s7 =	sor.u32 $0x410, s6;
	s13 =	sor.u32 $0x460, s6;
	[tilespmem:s25+$0x60] =	vst v24  }
0x6e: {  	v31 =	vadd.s32 v7, v21;
	s12 =	sor.u32 $0x410, s2;
	s21 =	sor.u32 $0x420, s6;
	v18 =	vld.idx.msk [tilespmem:v25+s29+$0x0], $0xffff;
	[smem:$0x7F9] =	sst s13  }
0x6f: {  	v63 =	vadd.s32 v7, v20;
	s5 =	sor.u32 $0x430, s6;
	s30 =	sor.u32 $0x440, s2;
	s15 =	sor.u32 $0x470, s6;
	[tilespmem:s26+$0x60] =	vst v28  }
0x70: {  	s6 =	sadd.s32 $0x4, s0;
	s23 =	sor.u32 $0x470, s2;
	v27 =	vld.idx.msk [tilespmem:v26+s8+$0x0], $0xffff;
	[dreg:$0x5] =	wrdreg s15  }
0x71: {  	s11 =	sor.u32 $0x400, s4;
	p3 =	slt.u32 s6, s19;
	v23 =	vadd.s32 v7, v19;
	[dreg:$0xd] =	wrdreg s23  }
.Ltmp4:
0x72: {  	s17 =	sor.u32 $0x430, s2;
	s20 =	sor.u32 $0x420, s2;
	[tilespmem:s24+$0x60] =	vst v29;
	(pc) =	sbr.rel @!p3 .LBB2_7-.Ltmp4, $4  }
0x73: {  	s10 =	sadd.s32 $0x2, s0;
	s13 =	sor.u32 $0x460, s2;
	s2 =	sor.u32 $0x460, s4;
	v28 =	vld.idx.msk [tilespmem:v31+s8+$0x0], $0xffff;
	[tilespmem:s28+$0x60] =	vst v30  }
0x74: {  	s16 =	sor.u32 $0x410, s4;
	v24 =	vmov s10;
	s15 =	sor.u32 $0x470, s4;
	v29 =	vld.idx.msk [tilespmem:v63+s8+$0x0], $0xffff;
	[smem:$0x7FA] =	sst s2  }
0x75: {  	s9 =	sor.u32 $0x420, s4;
	s31 =	sor.u32 $0x430, s4;
	v24 =	vand.u32 $0xFFFFFFFE, v24;
	[dreg:$0x4] =	wrdreg s15  }
0x76: {  	v33 =	vadd.s32 v8, v21;
	s3 =	sor.u32 $0x450, s4;
	v35 =	vadd.s32 v8, v22;
	s10 =	simm.s32 $0x0;
	v32 =	vbroadcast v24, $0x0;
	s23 =	sor.u32 $0x440, s4;
	v31 =	vld.idx.msk [tilespmem:v23+s8+$0x0], $0xffff  }
0x77: {  	_ =	sdelay $0x1  }
0x78: {  	v24 =	vadd.s32 v8, v20  }
0x79: {  	v23 =	vmov s6;
	s0 =	sadd.s32 $0x3, s6;
	[tilespmem:s25+$0x70] =	vst v27;
	v25 =	vadd.s32 v8, v19  }
0x7a: {  	s15 =	sand.u32 $0x3, s10;
	v23 =	vand.u32 $0xFFFFFFFC, v23;
	v27 =	vmov s0;
	v30 =	vld.idx.msk [tilespmem:v35+s8+$0x0], $0xffff;
	[tilespmem:s26+$0x70] =	vst v28  }
0x7b: {  	s0 =	sshll.u32 s15, $0x8;
	v26 =	vbroadcast v23, $0x0;
	v23 =	vld.idx.msk [tilespmem:v32+s29+$0x0], $0xffff;
	[tilespmem:s24+$0x70] =	vst v29;
	v29 =	vadd.s32 v9, v22  }
0x7c: {  	v28 =	vld.idx.msk [tilespmem:v33+s8+$0x0], $0xffff;
	s0 =	sadd.s32 $0x0, s0  }
0x7d: {  	s0 =	sadd.s32 $0x100, s0;
	[tilespmem:s28+$0x70] =	vst v31;
	v31 =	vadd.s32 v9, v21;
	v56 =	vld.idx.msk [tilespmem:v24+s8+$0x0], $0xffff  }
0x7e: {  	v58 =	vadd.s32 v0, v17;
	s2 =	sor.u32 $0x400, s0;
	v34 =	vld.idx.msk [tilespmem:v25+s8+$0x0], $0xffff  }
0x7f: {  	v25 =	vld.idx.msk [tilespmem:v27+s29+$0x0], $0xffff;
	v27 =	vadd.s32 v9, v20;
	[tilespmem:s2+$0x800] =	vst v30  }
0x80: {  	v57 =	vadd.s32 v0, v18;
	v29 =	vld.idx.msk [tilespmem:v29+s8+$0x0], $0xffff  }
0x81: {  	v30 =	vadd.s32 v0, v23;
	[tilespmem:s22+$0x800] =	vst v28;
	v24 =	vld.idx.msk [tilespmem:v26+s29+$0x0], $0xffff  }
0x82: {  	v26 =	vadd.s32 v9, v19;
	v28 =	vld.idx.msk [tilespmem:v31+s8+$0x0], $0xffff  }
0x83: {  	s15 =	sadd.s32 $0x200, s18;
	v33 =	vld.idx.msk [tilespmem:v58+s8+$0x0], $0xffff;
	v31 =	vadd.s32 v10, v22;
	[tilespmem:s11+$0x800] =	vst v56;
	s11 =	simm.s32 $0x400  }
0x84: {  	v55 =	vadd.s32 v0, v16;
	s4 =	sadd.s32 $0xFFFFFF80, s15;
	s1 =	sadd.s32 $0xFFFFFE80, s15;
	v27 =	vld.idx.msk [tilespmem:v27+s8+$0x0], $0xffff;
	s25 =	sand.u32 $0xFFFFF800, s11  }
0x85: {  	v59 =	vadd.s32 v10, v21;
	s4 =	sand.u32 $0x300, s4;
	s24 =	sor.u32 $0x410, s0;
	v35 =	vld.idx.msk [tilespmem:v57+s8+$0x0], $0xffff;
	[tilespmem:s14+$0x800] =	vst v34;
	s2 =	sadd.s32 $0x800, s25  }
0x86: {  	v60 =	vadd.s32 v1, v17;
	v30 =	vld.idx.msk [tilespmem:v30+s8+$0x0], $0xffff;
	[tilespmem:s24+$0x800] =	vst v29;
	s25 =	sor.u32 s4, s2;
	s4 =	sand.u32 $0x200, s1  }
0x87: {  	v36 =	vadd.s32 v10, v20;
	s26 =	sadd.s32 $0xFFFFFF00, s15;
	v26 =	vld.idx.msk [tilespmem:v26+s8+$0x0], $0xffff;
	[tilespmem:s7+$0x800] =	vst v28;
	s24 =	sor.u32 s4, s2  }
0x88: {  	v38 =	vadd.s32 v1, v18;
	v31 =	vld.idx.msk [tilespmem:v31+s8+$0x0], $0xffff;
	s7 =	sand.u32 $0x280, s26;
	[tilespmem:s24+$0x0] =	vst v33  }
0x89: {  	v32 =	vld.idx.msk [tilespmem:v55+s8+$0x0], $0xffff;
	v37 =	vadd.s32 v1, v23;
	s26 =	sor.u32 s7, s2;
	[tilespmem:s16+$0x800] =	vst v27  }
0x8a: {  	v29 =	vadd.s32 v10, v19;
	v27 =	vld.idx.msk [tilespmem:v59+s8+$0x0], $0xffff;
	[tilespmem:s26+$0x0] =	vst v35  }
0x8b: {  	v28 =	vadd.s32 v11, v22;
	v33 =	vld.idx.msk [tilespmem:v60+s8+$0x0], $0xffff;
	[tilespmem:s25+$0x0] =	vst v30  }
0x8c: {  	v61 =	vadd.s32 v11, v21;
	s10 =	sor.u32 $0x420, s0;
	v36 =	vld.idx.msk [tilespmem:v36+s8+$0x0], $0xffff;
	[tilespmem:s12+$0x800] =	vst v26;
	s12 =	sand.u32 $0x380, s15  }
0x8d: {  	v62 =	vld.idx.msk [tilespmem:v38+s8+$0x0], $0xffff;
	v26 =	vadd.s32 v1, v16;
	[tilespmem:s10+$0x800] =	vst v31;
	s28 =	sor.u32 s12, s2  }
0x8e: {  	v41 =	vadd.s32 v2, v17;
	v30 =	vld.idx.msk [tilespmem:v37+s8+$0x0], $0xffff;
	[tilespmem:s28+$0x0] =	vst v32  }
0x8f: {  	v29 =	vld.idx.msk [tilespmem:v29+s8+$0x0], $0xffff;
	v31 =	vadd.s32 v2, v23;
	[tilespmem:s21+$0x800] =	vst v27  }
0x90: {  	v40 =	vadd.s32 v2, v18;
	v28 =	vld.idx.msk [tilespmem:v28+s8+$0x0], $0xffff;
	[tilespmem:s24+$0x10] =	vst v33  }
0x91: {  	v63 =	vadd.s32 v11, v20;
	[tilespmem:s9+$0x800] =	vst v36;
	v35 =	vld.idx.msk [tilespmem:v61+s8+$0x0], $0xffff  }
0x92: {  	v27 =	vadd.s32 v12, v22;
	[tilespmem:s26+$0x10] =	vst v62;
	v26 =	vld.idx.msk [tilespmem:v26+s8+$0x0], $0xffff  }
0x93: {  	v32 =	vld.idx.msk [tilespmem:v41+s8+$0x0], $0xffff;
	[tilespmem:s25+$0x10] =	vst v30;
	v30 =	vadd.s32 v2, v16  }
0x94: {  	v42 =	vadd.s32 v11, v19;
	s14 =	sor.u32 $0x430, s0;
	v31 =	vld.idx.msk [tilespmem:v31+s8+$0x0], $0xffff;
	[tilespmem:s20+$0x800] =	vst v29  }
0x95: {  	v34 =	vld.idx.msk [tilespmem:v40+s8+$0x0], $0xffff;
	[tilespmem:s14+$0x800] =	vst v28;
	v28 =	vadd.s32 v3, v23  }
0x96: {  	v44 =	vadd.s32 v3, v18;
	v36 =	vld.idx.msk [tilespmem:v63+s8+$0x0], $0xffff;
	[tilespmem:s5+$0x800] =	vst v35  }
0x97: {  	v29 =	vadd.s32 v3, v17;
	v27 =	vld.idx.msk [tilespmem:v27+s8+$0x0], $0xffff;
	[tilespmem:s28+$0x10] =	vst v26  }
0x98: {  	[tilespmem:s24+$0x20] =	vst v32;
	v26 =	vld.idx.msk [tilespmem:v30+s8+$0x0], $0xffff;
	v30 =	vadd.s32 v13, v22  }
0x99: {  	v45 =	vld.idx.msk [tilespmem:v42+s8+$0x0], $0xffff;
	[tilespmem:s25+$0x20] =	vst v31;
	v31 =	vadd.s32 v3, v16  }
0x9a: {  	v47 =	vadd.s32 v12, v20;
	[tilespmem:s26+$0x20] =	vst v34;
	v28 =	vld.idx.msk [tilespmem:v28+s8+$0x0], $0xffff  }
0x9b: {  	v48 =	vadd.s32 v4, v23;
	s16 =	sor.u32 $0x440, s0;
	[tilespmem:s31+$0x800] =	vst v36;
	v33 =	vld.idx.msk [tilespmem:v44+s8+$0x0], $0xffff  }
0x9c: {  	v49 =	vadd.s32 v4, v18;
	v29 =	vld.idx.msk [tilespmem:v29+s8+$0x0], $0xffff;
	[tilespmem:s16+$0x800] =	vst v27  }
0x9d: {  	v27 =	vadd.s32 v12, v19;
	v30 =	vld.idx.msk [tilespmem:v30+s8+$0x0], $0xffff;
	[tilespmem:s28+$0x20] =	vst v26  }
0x9e: {  	v43 =	vadd.s32 v12, v21;
	[tilespmem:s17+$0x800] =	vst v45;
	v26 =	vld.idx.msk [tilespmem:v31+s8+$0x0], $0xffff  }
0x9f: {  	v34 =	vld.idx.msk [tilespmem:v47+s8+$0x0], $0xffff;
	v31 =	vadd.s32 v14, v22;
	[tilespmem:s25+$0x30] =	vst v28  }
0xa0: {  	v50 =	vadd.s32 v4, v17;
	[tilespmem:s26+$0x30] =	vst v33;
	v32 =	vld.idx.msk [tilespmem:v48+s8+$0x0], $0xffff  }
0xa1: {  	s1 =	sor.u32 $0x450, s0;
	[tilespmem:s24+$0x30] =	vst v29;
	v28 =	vadd.s32 v4, v16;
	v52 =	vld.idx.msk [tilespmem:v49+s8+$0x0], $0xffff  }
0xa2: {  	v53 =	vadd.s32 v13, v20;
	v27 =	vld.idx.msk [tilespmem:v27+s8+$0x0], $0xffff;
	[tilespmem:s1+$0x800] =	vst v30  }
0xa3: {  	v46 =	vld.idx.msk [tilespmem:v43+s8+$0x0], $0xffff;
	v29 =	vadd.s32 v5, v23;
	[tilespmem:s28+$0x30] =	vst v26  }
0xa4: {  	v54 =	vadd.s32 v5, v18;
	v30 =	vld.idx.msk [tilespmem:v31+s8+$0x0], $0xffff;
	s1 =	sld [smem:$0x7F6];
	[tilespmem:s23+$0x800] =	vst v34  }
0xa5: {  	v51 =	vadd.s32 v13, v21;
	v31 =	vld.idx.msk [tilespmem:v50+s8+$0x0], $0xffff;
	[tilespmem:s25+$0x40] =	vst v32  }
0xa6: {  	v22 =	vadd.s32 v15, v22;
	v26 =	vld.idx.msk [tilespmem:v28+s8+$0x0], $0xffff;
	[tilespmem:s26+$0x40] =	vst v52  }
0xa7: {  	v28 =	vadd.s32 v5, v17;
	[tilespmem:s30+$0x800] =	vst v27;
	v34 =	vld.idx.msk [tilespmem:v53+s8+$0x0], $0xffff  }
0xa8: {  	v56 =	vadd.s32 v13, v19;
	s20 =	sor.u32 $0x460, s0;
	v29 =	vld.idx.msk [tilespmem:v29+s8+$0x0], $0xffff;
	[tilespmem:s1+$0x800] =	vst v46  }
0xa9: {  	s18 =	sadd.s32 $0x1, s6;
	v55 =	vadd.s32 v5, v16;
	v36 =	vld.idx.msk [tilespmem:v54+s8+$0x0], $0xffff;
	[tilespmem:s20+$0x800] =	vst v30  }
0xaa: {  	v57 =	vmov s18;
	v59 =	vadd.s32 v6, v18;
	v33 =	vld.idx.msk [tilespmem:v51+s8+$0x0], $0xffff;
	[tilespmem:s24+$0x40] =	vst v31  }
0xab: {  	v30 =	vand.u32 $0xFFFFFFFD, v57;
	v31 =	vadd.s32 v6, v23;
	v22 =	vld.idx.msk [tilespmem:v22+s8+$0x0], $0xffff;
	[tilespmem:s28+$0x40] =	vst v26  }
0xac: {  	v58 =	vadd.s32 v14, v21;
	s12 =	simm.s32 $0x4;
	v30 =	vbroadcast v30, $0x0;
	v28 =	vld.idx.msk [tilespmem:v28+s8+$0x0], $0xffff;
	s2 =	sld [smem:$0x7F7]  }
0xad: {  	s21 =	sand.u32 $0x7, s12;
	v60 =	vld.idx.msk [tilespmem:v56+s8+$0x0], $0xffff;
	[tilespmem:s25+$0x50] =	vst v29  }
0xae: {  	s1 =	sshll.u32 s21, $0x7;
	v32 =	vld.idx.msk [tilespmem:v55+s8+$0x0], $0xffff;
	[tilespmem:s26+$0x50] =	vst v36  }
0xaf: {  	s0 =	sor.u32 $0x470, s0;
	s1 =	sadd.s32 $0x400, s1;
	v37 =	vld.idx.msk [tilespmem:v59+s8+$0x0], $0xffff;
	[tilespmem:s2+$0x800] =	vst v33  }
0xb0: {  	s4 =	sadd.s32 $0x80, s1;
	s1 =	sadd.s32 $0x180, s1;
	v31 =	vld.idx.msk [tilespmem:v31+s8+$0x0], $0xffff;
	[tilespmem:s0+$0x800] =	vst v22  }
0xb1: {  	v27 =	vadd.s32 v6, v17;
	s22 =	sor.u32 $0x410, s1;
	v61 =	vld.idx.msk [tilespmem:v58+s8+$0x0], $0xffff;
	[tilespmem:s24+$0x50] =	vst v28  }
0xb2: {  	v29 =	vadd.s32 v6, v16;
	s23 =	sor.u32 $0x420, s4;
	v26 =	vld.idx.msk [tilespmem:v30+s29+$0x0], $0xffff;
	[dreg:$0xb] =	wrdreg s22  }
0xb3: {  	[dreg:$0xa] =	wrdreg s23  }
0xb4: {  	[tilespmem:s28+$0x50] =	vst v32  }
0xb5: {  	v62 =	vadd.s32 v14, v20;
	[tilespmem:s3+$0x800] =	vst v34  }
0xb6: {  	s31 =	sor.u32 $0x440, s4;
	v63 =	vld.idx.msk [tilespmem:v27+s8+$0x0], $0xffff;
	s5 =	sld [smem:$0x7F8]  }
0xb7: {  	s3 =	sor.u32 $0x450, s4;
	v32 =	vld.idx.msk [tilespmem:v29+s8+$0x0], $0xffff;
	[dreg:$0x9] =	wrdreg s31  }
0xb8: {  	[dreg:$0x7] =	wrdreg s3  }
0xb9: {  	s9 =	sor.u32 $0x450, s1;
	[tilespmem:s5+$0x800] =	vst v60  }
0xba: {  	s21 =	sor.u32 $0x460, s4;
	v22 =	vadd.s32 v14, v19;
	v40 =	vld.idx.msk [tilespmem:v62+s8+$0x0], $0xffff;
	[dreg:$0x6] =	wrdreg s9  }
0xbb: {  	v28 =	vadd.s32 v7, v23;
	[dreg:$0x8] =	wrdreg s21  }
0xbc: {  	v39 =	vadd.s32 v7, v18;
	[tilespmem:s25+$0x60] =	vst v31  }
0xbd: {  	p3 =	por !p2, !p2;
	v21 =	vadd.s32 v15, v21;
	s2 =	simm.s32 $0x1;
	[tilespmem:s26+$0x60] =	vst v37  }
0xbe: {  	s2 =	simm.s32 @!p3 $0x0;
	s22 =	sld [smem:$0x7F9]  }
0xbf: {  	s2 =	sshll.u32 s2, $0x9;
	v30 =	vld.idx.msk [tilespmem:v22+s8+$0x0], $0xffff  }
0xc0: {  	s16 =	sor.u32 $0x400, s4;
	s7 =	sor.u32 $0x410, s4;
	s2 =	sadd.s32 $0x400, s2;
	v29 =	vadd.s32 v7, v17;
	v27 =	vld.idx.msk [tilespmem:v28+s8+$0x0], $0xffff;
	[tilespmem:s24+$0x60] =	vst v63  }
0xc1: {  	s10 =	sor.u32 $0x430, s4;
	s0 =	sor.u32 $0x470, s4;
	s4 =	sor.u32 $0x420, s2;
	v28 =	vld.idx.msk [tilespmem:v39+s8+$0x0], $0xffff;
	[tilespmem:s22+$0x800] =	vst v61  }
0xc2: {  	s5 =	sor.u32 $0x430, s2;
	v34 =	vld.idx.msk [tilespmem:v21+s8+$0x0], $0xffff;
	[dreg:$0x12] =	wrdreg s4  }
0xc3: {  	[dreg:$0x10] =	wrdreg s5  }
0xc4: {  	s31 =	sadd.s32 $0x2, s6;
	s21 =	sadd.s32 $0x4, s6;
	s6 =	sor.u32 $0x440, s2;
	[tilespmem:s28+$0x60] =	vst v32  }
0xc5: {  	v29 =	vld.idx.msk [tilespmem:v29+s8+$0x0], $0xffff;
	[dreg:$0x11] =	wrdreg s6  }
0xc6: {  	p5 =	slt.u32 s21, s19;
	v22 =	vmov s31;
	s19 =	sor.u32 $0x450, s2;
	s31 =	sld [smem:$0x7FA]  }
0xc7: {  	p4 =	por $0x1, $0x1;
	v31 =	vadd.s32 v7, v16;
	s22 =	sor.u32 $0x460, s2;
	[dreg:$0xf] =	wrdreg s19  }
.Ltmp5:
0xc8: {  	s14 =	sor.u32 $0x400, s1;
	[dreg:$0xe] =	wrdreg s22;
	(pc) =	sbr.rel @!p5 .LBB2_9-.Ltmp5, $4  }
0xc9: {  	s20 =	sor.u32 $0x420, s1;
	s17 =	sor.u32 $0x430, s1;
	s18 =	sor.u32 $0x440, s1;
	[tilespmem:s31+$0x800] =	vst v40  }
0xca: {  	s23 =	sor.u32 $0x470, s1;
	s3 =	sor.u32 $0x400, s2;
	s22 =	rddreg [dreg:$0xd]  }
0xcb: {  	v35 =	vadd.s32 v8, v23;
	v36 =	vadd.s32 v15, v20;
	s30 =	sor.u32 $0x410, s2;
	v20 =	vand.u32 $0xFFFFFFFE, v22;
	s4 =	sor.u32 $0x470, s2;
	s2 =	rddreg [dreg:$0x5]  }
0xcc: {  	v33 =	vadd.s32 v8, v18;
	s9 =	sor.u32 $0x460, s1;
	v37 =	vadd.s32 v15, v19;
	v32 =	vbroadcast v20, $0x0;
	s6 =	simm.s32 $0x0;
	v31 =	vld.idx.msk [tilespmem:v31+s8+$0x0], $0xffff;
	s5 =	rddreg [dreg:$0x4]  }
.LBB2_10:
0xcd: {  	_ =	sdelay $0x1  }
0xce: {  	v19 =	vmov s21  }
0xcf: {  	v20 =	vadd.s32 v8, v17;
	v22 =	vld.idx.msk [tilespmem:v36+s8+$0x0], $0xffff;
	s19 =	sadd.s32 $0x3, s21;
	v19 =	vand.u32 $0xFFFFFFFC, v19;
	[tilespmem:s13+$0x800] =	vst v30  }
0xd0: {  	v49 =	vbroadcast v19, $0x0;
	v19 =	vmov s19;
	[tilespmem:s25+$0x70] =	vst v27;
	v30 =	vld.idx.msk [tilespmem:v37+s8+$0x0], $0xffff  }
0xd1: {  	[tilespmem:s26+$0x70] =	vst v28;
	v28 =	vld.idx.msk [tilespmem:v35+s8+$0x0], $0xffff  }
0xd2: {  	s6 =	sadd.s32 $0x2, s6;
	v27 =	vadd.s32 v8, v16;
	[tilespmem:s2+$0x800] =	vst v34;
	v21 =	vld.idx.msk [tilespmem:v32+s29+$0x0], $0xffff  }
0xd3: {  	v51 =	vadd.s32 v0, v25;
	s26 =	sand.u32 $0x3, s6;
	[tilespmem:s24+$0x70] =	vst v29;
	v29 =	vld.idx.msk [tilespmem:v33+s8+$0x0], $0xffff  }
0xd4: {  	v50 =	vadd.s32 v9, v23;
	s2 =	sshll.u32 s26, $0x8;
	[tilespmem:s28+$0x70] =	vst v31;
	v52 =	vld.idx.msk [tilespmem:v20+s8+$0x0], $0xffff  }
0xd5: {  	s31 =	smov.u32 s0;
	v31 =	vadd.s32 v9, v18;
	s0 =	sadd.s32 s11, s2;
	[tilespmem:s5+$0x800] =	vst v22;
	v19 =	vld.idx.msk [tilespmem:v19+s29+$0x0], $0xffff  }
0xd6: {  	[dreg:$0x5] =	wrdreg s31;
	v22 =	vadd.s32 v9, v17;
	s31 =	sadd.s32 $0x100, s0;
	v20 =	vld.idx.msk [tilespmem:v49+s29+$0x0], $0xffff  }
0xd7: {  	s1 =	smov.u32 s9;
	v53 =	vadd.s32 v0, v26;
	s9 =	sor.u32 $0x400, s31;
	v27 =	vld.idx.msk [tilespmem:v27+s8+$0x0], $0xffff;
	[tilespmem:s22+$0x800] =	vst v30  }
0xd8: {  	v54 =	vadd.s32 v0, v24;
	[tilespmem:s9+$0x800] =	vst v28;
	v33 =	vld.idx.msk [tilespmem:v51+s8+$0x0], $0xffff  }
0xd9: {  	v28 =	vadd.s32 v9, v16;
	[tilespmem:s16+$0x800] =	vst v29;
	v32 =	vld.idx.msk [tilespmem:v50+s8+$0x0], $0xffff  }
0xda: {  	v30 =	vadd.s32 v0, v21;
	[tilespmem:s3+$0x800] =	vst v52;
	v29 =	vld.idx.msk [tilespmem:v31+s8+$0x0], $0xffff  }
0xdb: {  	v22 =	vld.idx.msk [tilespmem:v22+s8+$0x0], $0xffff  }
0xdc: {  	v31 =	vadd.s32 v10, v23;
	v35 =	vld.idx.msk [tilespmem:v53+s8+$0x0], $0xffff  }
0xdd: {  	v55 =	vadd.s32 v10, v17;
	v34 =	vld.idx.msk [tilespmem:v54+s8+$0x0], $0xffff;
	[tilespmem:s14+$0x800] =	vst v27  }
0xde: {  	s15 =	sadd.s32 $0x200, s15;
	s11 =	sadd.s32 $0x400, s11;
	s19 =	sor.u32 $0x410, s31;
	v27 =	vadd.s32 v10, v18;
	v28 =	vld.idx.msk [tilespmem:v28+s8+$0x0], $0xffff  }
0xdf: {  	v38 =	vadd.s32 v1, v26;
	s25 =	sadd.s32 $0xFFFFFE80, s15;
	s5 =	smov.u32 s4;
	s24 =	sand.u32 $0xFFFFF800, s11;
	v30 =	vld.idx.msk [tilespmem:v30+s8+$0x0], $0xffff;
	[tilespmem:s19+$0x800] =	vst v32  }
0xe0: {  	v56 =	vadd.s32 v10, v16;
	s4 =	sand.u32 $0x200, s25;
	s2 =	sadd.s32 $0x800, s24;
	s3 =	sadd.s32 $0xFFFFFF00, s15;
	[tilespmem:s7+$0x800] =	vst v29  }
0xe1: {  	s26 =	sadd.s32 $0xFFFFFF80, s15;
	s24 =	sor.u32 s4, s2;
	v57 =	vadd.s32 v1, v21;
	[tilespmem:s30+$0x800] =	vst v22;
	s7 =	sand.u32 $0x280, s3;
	v31 =	vld.idx.msk [tilespmem:v31+s8+$0x0], $0xffff  }
0xe2: {  	[dreg:$0x4] =	wrdreg s5;
	s5 =	sand.u32 $0x300, s26;
	v29 =	vadd.s32 v1, v24;
	v36 =	vld.idx.msk [tilespmem:v55+s8+$0x0], $0xffff;
	s26 =	sor.u32 s7, s2;
	[tilespmem:s24+$0x0] =	vst v34  }
0xe3: {  	s25 =	sor.u32 s5, s2;
	s5 =	rddreg [dreg:$0xb];
	v22 =	vld.idx.msk [tilespmem:v27+s8+$0x0], $0xffff;
	v27 =	vadd.s32 v11, v23;
	[tilespmem:s26+$0x0] =	vst v35  }
0xe4: {  	s7 =	sand.u32 $0x380, s15;
	[tilespmem:s5+$0x800] =	vst v28;
	v28 =	vadd.s32 v1, v25;
	v60 =	vld.idx.msk [tilespmem:v38+s8+$0x0], $0xffff  }
0xe5: {  	v59 =	vadd.s32 v11, v18;
	s28 =	sor.u32 s7, s2;
	[tilespmem:s25+$0x0] =	vst v30;
	v30 =	vld.idx.msk [tilespmem:v56+s8+$0x0], $0xffff  }
0xe6: {  	v61 =	vadd.s32 v11, v17;
	s9 =	sor.u32 $0x420, s31;
	v58 =	vld.idx.msk [tilespmem:v57+s8+$0x0], $0xffff;
	[tilespmem:s28+$0x0] =	vst v33  }
0xe7: {  	p3 =	por !p3, !p3;
	v62 =	vadd.s32 v2, v26;
	s0 =	simm.s32 $0x1;
	s7 =	rddreg [dreg:$0x12];
	v29 =	vld.idx.msk [tilespmem:v29+s8+$0x0], $0xffff;
	[tilespmem:s9+$0x800] =	vst v31  }
0xe8: {  	s12 =	sadd.s32 $0x4, s12;
	s0 =	simm.s32 @!p3 $0x0;
	s3 =	rddreg [dreg:$0xa];
	v31 =	vadd.s32 v2, v21;
	[tilespmem:s7+$0x800] =	vst v36;
	v27 =	vld.idx.msk [tilespmem:v27+s8+$0x0], $0xffff  }
0xe9: {  	v63 =	vadd.s32 v2, v24;
	[dreg:$0xc] =	wrdreg s1;
	s0 =	sshll.u32 s0, $0x9;
	s22 =	sand.u32 $0x7, s12;
	[tilespmem:s3+$0x800] =	vst v22;
	v28 =	vld.idx.msk [tilespmem:v28+s8+$0x0], $0xffff  }
0xea: {  	s13 =	smov.u32 s23;
	s4 =	sadd.s32 s0, s11;
	s23 =	sshll.u32 s22, $0x7;
	v22 =	vadd.s32 v12, v23;
	v35 =	vld.idx.msk [tilespmem:v59+s8+$0x0], $0xffff;
	[tilespmem:s26+$0x10] =	vst v60  }
0xeb: {  	v40 =	vadd.s32 v2, v25;
	[dreg:$0xd] =	wrdreg s13;
	s13 =	sor.u32 $0x400, s4;
	s1 =	sadd.s32 s11, s23;
	v36 =	vld.idx.msk [tilespmem:v61+s8+$0x0], $0xffff;
	[tilespmem:s25+$0x10] =	vst v58  }
0xec: {  	v42 =	vadd.s32 v12, v18;
	[dreg:$0x16] =	wrdreg s13;
	s13 =	sor.u32 $0x430, s31;
	s23 =	sadd.s32 $0x180, s1;
	v34 =	vld.idx.msk [tilespmem:v62+s8+$0x0], $0xffff;
	[tilespmem:s24+$0x10] =	vst v29  }
0xed: {  	v41 =	vadd.s32 v11, v16;
	s22 =	sor.u32 $0x410, s23;
	v31 =	vld.idx.msk [tilespmem:v31+s8+$0x0], $0xffff;
	[tilespmem:s13+$0x800] =	vst v27  }
0xee: {  	v43 =	vadd.s32 v3, v26;
	[dreg:$0xb] =	wrdreg s22;
	s22 =	smov.u32 s10;
	v29 =	vld.idx.msk [tilespmem:v63+s8+$0x0], $0xffff;
	[tilespmem:s28+$0x10] =	vst v28  }
0xef: {  	s10 =	smov.u32 s20;
	v27 =	vadd.s32 v3, v21;
	v22 =	vld.idx.msk [tilespmem:v22+s8+$0x0], $0xffff;
	[tilespmem:s22+$0x800] =	vst v35  }
0xf0: {  	v44 =	vadd.s32 v13, v23;
	v28 =	vld.idx.msk [tilespmem:v40+s8+$0x0], $0xffff;
	[tilespmem:s10+$0x800] =	vst v30  }
0xf1: {  	s20 =	sor.u32 $0x420, s4;
	s13 =	sor.u32 $0x460, s4;
	v30 =	vadd.s32 v3, v24;
	v46 =	vld.idx.msk [tilespmem:v42+s8+$0x0], $0xffff;
	[tilespmem:s26+$0x20] =	vst v34  }
0xf2: {  	[dreg:$0x13] =	wrdreg s13;
	s13 =	smov.u32 s20;
	v45 =	vld.idx.msk [tilespmem:v41+s8+$0x0], $0xffff;
	[tilespmem:s25+$0x20] =	vst v31;
	v31 =	vadd.s32 v3, v25  }
0xf3: {  	v47 =	vadd.s32 v12, v17;
	s16 =	sor.u32 $0x400, s23;
	[dreg:$0x12] =	wrdreg s13;
	s13 =	sor.u32 $0x440, s31;
	v33 =	vld.idx.msk [tilespmem:v43+s8+$0x0], $0xffff;
	[tilespmem:s24+$0x20] =	vst v29  }
0xf4: {  	v48 =	vadd.s32 v4, v26;
	s0 =	sadd.s32 $0x80, s1;
	[dreg:$0x19] =	wrdreg s16;
	v27 =	vld.idx.msk [tilespmem:v27+s8+$0x0], $0xffff;
	[tilespmem:s13+$0x800] =	vst v22  }
0xf5: {  	v50 =	vadd.s32 v13, v18;
	s14 =	sor.u32 $0x400, s0;
	s13 =	rddreg [dreg:$0x10];
	v32 =	vld.idx.msk [tilespmem:v44+s8+$0x0], $0xffff;
	[tilespmem:s28+$0x20] =	vst v28  }
0xf6: {  	[dreg:$0x18] =	wrdreg s14;
	s19 =	sor.u32 $0x410, s0;
	s30 =	smov.u32 s17;
	v29 =	vadd.s32 v4, v21;
	v30 =	vld.idx.msk [tilespmem:v30+s8+$0x0], $0xffff;
	[tilespmem:s13+$0x800] =	vst v36  }
0xf7: {  	s17 =	sor.u32 $0x430, s4;
	[dreg:$0x14] =	wrdreg s19;
	s19 =	sor.u32 $0x420, s23;
	v22 =	vadd.s32 v12, v16;
	v28 =	vld.idx.msk [tilespmem:v31+s8+$0x0], $0xffff;
	[tilespmem:s30+$0x800] =	vst v45  }
0xf8: {  	s5 =	sor.u32 $0x420, s0;
	s20 =	smov.u32 s19;
	s19 =	rddreg [dreg:$0x9];
	v31 =	vadd.s32 v14, v23;
	v34 =	vld.idx.msk [tilespmem:v47+s8+$0x0], $0xffff;
	[tilespmem:s26+$0x30] =	vst v33  }
0xf9: {  	v49 =	vadd.s32 v4, v24;
	[dreg:$0xa] =	wrdreg s5;
	s13 =	smov.u32 s17;
	v51 =	vld.idx.msk [tilespmem:v48+s8+$0x0], $0xffff;
	[tilespmem:s19+$0x800] =	vst v46  }
0xfa: {  	s9 =	sor.u32 $0x450, s23;
	[dreg:$0x10] =	wrdreg s13;
	s13 =	sor.u32 $0x450, s31;
	[tilespmem:s25+$0x30] =	vst v27;
	v27 =	vadd.s32 v4, v25;
	v33 =	vld.idx.msk [tilespmem:v50+s8+$0x0], $0xffff  }
0xfb: {  	v54 =	vadd.s32 v5, v26;
	s16 =	smov.u32 s18;
	[dreg:$0x17] =	wrdreg s9;
	s9 =	sor.u32 $0x460, s0;
	v29 =	vld.idx.msk [tilespmem:v29+s8+$0x0], $0xffff;
	[tilespmem:s13+$0x800] =	vst v32  }
0xfc: {  	v52 =	vadd.s32 v13, v17;
	s18 =	sor.u32 $0x440, s4;
	s5 =	sor.u32 $0x430, s23;
	[dreg:$0x15] =	wrdreg s9;
	v22 =	vld.idx.msk [tilespmem:v22+s8+$0x0], $0xffff;
	[tilespmem:s24+$0x30] =	vst v30  }
0xfd: {  	v57 =	vadd.s32 v14, v18;
	s17 =	smov.u32 s5;
	s5 =	rddreg [dreg:$0x11];
	s13 =	smov.u32 s18;
	v31 =	vld.idx.msk [tilespmem:v31+s8+$0x0], $0xffff;
	[tilespmem:s28+$0x30] =	vst v28  }
0xfe: {  	s1 =	sor.u32 $0x440, s0;
	v30 =	vadd.s32 v5, v21;
	v53 =	vld.idx.msk [tilespmem:v49+s8+$0x0], $0xffff;
	[tilespmem:s5+$0x800] =	vst v34;
	[dreg:$0x11] =	wrdreg s13  }
0xff: {  	s14 =	sor.u32 $0x440, s23;
	s2 =	sor.u32 $0x410, s4;
	v28 =	vadd.s32 v15, v23;
	s13 =	rddreg [dreg:$0x7];
	[tilespmem:s26+$0x40] =	vst v51;
	v27 =	vld.idx.msk [tilespmem:v27+s8+$0x0], $0xffff  }
0x100: {  	s22 =	rddreg [dreg:$0xd];
	s30 =	smov.u32 s2;
	s2 =	smov.u32 s1;
	v23 =	vmov v21;
	v21 =	vadd.s32 v5, v24;
	v36 =	vld.idx.msk [tilespmem:v54+s8+$0x0], $0xffff;
	[tilespmem:s13+$0x800] =	vst v33  }
0x101: {  	s3 =	sor.u32 $0x450, s0;
	[dreg:$0x9] =	wrdreg s2;
	s19 =	sadd.s32 $0x1, s21;
	v34 =	vld.idx.msk [tilespmem:v52+s8+$0x0], $0xffff;
	[tilespmem:s25+$0x40] =	vst v29;
	v29 =	vadd.s32 v5, v25  }
0x102: {  	s2 =	sor.u32 $0x460, s31;
	v56 =	vmov s19;
	s19 =	smov.u32 s3;
	s3 =	rddreg [dreg:$0x16];
	v33 =	vld.idx.msk [tilespmem:v57+s8+$0x0], $0xffff  }
0x103: {  	v55 =	vadd.s32 v13, v16;
	s18 =	smov.u32 s14;
	s14 =	rddreg [dreg:$0x19];
	v30 =	vld.idx.msk [tilespmem:v30+s8+$0x0], $0xffff;
	[tilespmem:s2+$0x800] =	vst v31  }
0x104: {  	s5 =	rddreg [dreg:$0x4];
	v58 =	vadd.s32 v6, v23;
	[tilespmem:s24+$0x40] =	vst v53;
	v28 =	vld.idx.msk [tilespmem:v28+s8+$0x0], $0xffff  }
0x105: {  	v59 =	vadd.s32 v6, v26;
	[dreg:$0x7] =	wrdreg s19;
	v21 =	vld.idx.msk [tilespmem:v21+s8+$0x0], $0xffff;
	[tilespmem:s28+$0x40] =	vst v27  }
0x106: {  	s7 =	sor.u32 $0x450, s4;
	s19 =	rddreg [dreg:$0xf];
	[tilespmem:s26+$0x50] =	vst v36;
	v27 =	vld.idx.msk [tilespmem:v29+s8+$0x0], $0xffff  }
0x107: {  	s13 =	sor.u32 $0x470, s31;
	s31 =	smov.u32 s7;
	s7 =	rddreg [dreg:$0x14];
	v31 =	vand.u32 $0xFFFFFFFD, v56;
	[tilespmem:s16+$0x800] =	vst v22;
	v22 =	vadd.s32 v6, v24  }
0x108: {  	[dreg:$0xf] =	wrdreg s31;
	v31 =	vbroadcast v31, $0x0;
	v29 =	vld.idx.msk [tilespmem:v55+s8+$0x0], $0xffff;
	[tilespmem:s25+$0x50] =	vst v30;
	v30 =	vadd.s32 v6, v25  }
0x109: {  	s2 =	rddreg [dreg:$0x5];
	v32 =	vld.idx.msk [tilespmem:v58+s8+$0x0], $0xffff;
	[tilespmem:s13+$0x800] =	vst v28  }
0x10a: {  	v60 =	vadd.s32 v14, v17;
	s16 =	rddreg [dreg:$0x18];
	v36 =	vld.idx.msk [tilespmem:v59+s8+$0x0], $0xffff;
	[tilespmem:s24+$0x50] =	vst v21  }
0x10b: {  	s29 =	sor.u32 $0x430, s0;
	v28 =	vadd.s32 v14, v16;
	s13 =	rddreg [dreg:$0x6];
	[tilespmem:s28+$0x50] =	vst v27  }
0x10c: {  	v61 =	vadd.s32 v7, v26;
	s10 =	smov.u32 s29;
	v22 =	vld.idx.msk [tilespmem:v22+s8+$0x0], $0xffff;
	[tilespmem:s19+$0x800] =	vst v34;
	s19 =	rddreg [dreg:$0x17]  }
0x10d: {  	s29 =	simm.s32 $0x0;
	v21 =	vadd.s32 v7, v23;
	v62 =	vld.idx.msk [tilespmem:v30+s8+$0x0], $0xffff;
	[tilespmem:s13+$0x800] =	vst v29;
	s31 =	smov.u32 s19;
	s13 =	rddreg [dreg:$0x8]  }
0x10e: {  	v63 =	vadd.s32 v15, v18;
	v31 =	vld.idx.msk [tilespmem:v31+s29+$0x0], $0xffff;
	[dreg:$0x6] =	wrdreg s31  }
0x10f: {  	v39 =	vadd.s32 v7, v24;
	[tilespmem:s26+$0x60] =	vst v36;
	v40 =	vld.idx.msk [tilespmem:v60+s8+$0x0], $0xffff;
	s19 =	sadd.s32 $0x2, s21;
	s21 =	sadd.s32 $0x4, s21;
	s31 =	rddreg [dreg:$0x3]  }
0x110: {  	v41 =	vadd.s32 v7, v25;
	[tilespmem:s25+$0x60] =	vst v32;
	v29 =	vmov s19;
	s19 =	rddreg [dreg:$0x15];
	v30 =	vld.idx.msk [tilespmem:v28+s8+$0x0], $0xffff;
	p5 =	slt.u32 s21, s31  }
.Ltmp6:
0x111: {  	v28 =	vld.idx.msk [tilespmem:v61+s8+$0x0], $0xffff;
	[tilespmem:s13+$0x800] =	vst v33;
	s13 =	rddreg [dreg:$0xe];
	(pc) =	sbr.rel @p5 .LBB2_10-.Ltmp6, $4  }
0x112: {  	v37 =	vadd.s32 v15, v16;
	v27 =	vld.idx.msk [tilespmem:v21+s8+$0x0], $0xffff;
	s31 =	smov.u32 s19;
	s19 =	rddreg [dreg:$0x13]  }
0x113: {  	v18 =	vmov v26;
	v35 =	vadd.s32 v8, v23;
	v16 =	vmov v25;
	[dreg:$0x8] =	wrdreg s31;
	v34 =	vld.idx.msk [tilespmem:v63+s8+$0x0], $0xffff;
	s31 =	smov.u32 s19;
	[tilespmem:s24+$0x60] =	vst v22  }
0x114: {  	s9 =	sor.u32 $0x460, s23;
	s0 =	sor.u32 $0x470, s0;
	v36 =	vadd.s32 v15, v17;
	v17 =	vmovc v24;
	v24 =	vmov v20;
	v20 =	vand.u32 $0xFFFFFFFE, v29;
	[dreg:$0xe] =	wrdreg s31;
	v29 =	vld.idx.msk [tilespmem:v39+s8+$0x0], $0xffff;
	[tilespmem:s28+$0x60] =	vst v62  }
0x115: {  	s23 =	sor.u32 $0x470, s23;
	s4 =	sor.u32 $0x470, s4;
	v25 =	vmovc v19;
	v33 =	vadd.s32 v8, v18;
	v32 =	vbroadcast v20, $0x0;
	v26 =	vmov v31;
	[tilespmem:s13+$0x800] =	vst v40;
	s13 =	rddreg [dreg:$0xc];
	v31 =	vld.idx.msk [tilespmem:v41+s8+$0x0], $0xffff  }
0x116: {  	[dreg:$0xc] =	wrdreg s9  }
0x117: {  	[dreg:$0x5] =	wrdreg s0  }
0x118: {  	[dreg:$0x4] =	wrdreg s4  }
0x119: {  	[dreg:$0xd] =	wrdreg s23  }
0x11a: {  	s21 =	rddreg [dreg:$0xa]  }
0x11b: {  	s1 =	smov.u32 s16;
	s9 =	rddreg [dreg:$0x12]  }
0x11c: {  	s16 =	smov.u32 s30;
	s30 =	smov.u32 s13;
	s31 =	rddreg [dreg:$0x10]  }
0x11d: {  	s13 =	smov.u32 s5;
	s5 =	smov.u32 s10;
	s10 =	rddreg [dreg:$0x9]  }
0x11e: {  	s23 =	rddreg [dreg:$0x11]  }
0x11f: {  	[smem:$0x7F5] =	sst s18  }
0x120: {  	s19 =	rddreg [dreg:$0x7]  }
0x121: {  	s4 =	rddreg [dreg:$0xf]  }
0x122: {  	s18 =	rddreg [dreg:$0x8]  }
0x123: {  	[smem:$0x7F6] =	sst s10  }
0x124: {  	[smem:$0x7F7] =	sst s19  }
0x125: {  	[smem:$0x7F4] =	sst s4  }
0x126: {  	s10 =	rddreg [dreg:$0x6]  }
0x127: {  	[smem:$0x7F9] =	sst s18  }
0x128: {  	s19 =	rddreg [dreg:$0xe]  }
0x129: {  	[smem:$0x7F8] =	sst s10  }
0x12a: {  	v20 =	vmov v17;
	v19 =	vmov v16;
	[smem:$0x7FA] =	sst s19  }
0x12b: {  	v21 =	vmovc v18;
	v22 =	vmovc v23;
	v16 =	vmov v25;
	v18 =	vmov v26;
	v17 =	vmov v24;
	s19 =	smov.u32 s12;
	s12 =	rddreg [dreg:$0xb]  }
.LBB2_12:
0x12c: {  	_ =	sdelay $0x3  }
0x12d: {  	v23 =	vld.idx.msk [tilespmem:v32+s29+$0x0], $0xffff;
	_ =	sdelay $0x1  }
0x12e: {  	[tilespmem:s26+$0x70] =	vst @p1 v28  }
0x12f: {  	[tilespmem:s24+$0x70] =	vst @p1 v29  }
0x130: {  	[tilespmem:s2+$0x800] =	vst @p4 v34;
	v34 =	vadd.s32 @p1 v8, v19;
	v29 =	vld.idx.msk @p1 [tilespmem:v33+s8+$0x0], $0xffff  }
0x131: {  	v26 =	vadd.s32 v0, v23  }
0x132: {  	[tilespmem:s30+$0x800] =	vst @p4 v30;
	v25 =	vld.idx.msk @p4 [tilespmem:v36+s8+$0x0], $0xffff;
	s0 =	sadd.s32 @p4 $0x2, s6;
	s6 =	simm.s32 $0x0;
	v30 =	vadd.s32 v0, v18  }
0x133: {  	[tilespmem:s25+$0x70] =	vst @p1 v27;
	v47 =	vadd.s32 v0, v17;
	s6 =	smov.u32 @p4 s0;
	v27 =	vld.idx.msk @p4 [tilespmem:v37+s8+$0x0], $0xffff  }
0x134: {  	v48 =	vadd.s32 v0, v16;
	[tilespmem:s28+$0x70] =	vst @p1 v31;
	s2 =	sadd.s32 @p1 $0x200, s15;
	v28 =	vld.idx.msk @p1 [tilespmem:v35+s8+$0x0], $0xffff;
	s0 =	sand.u32 @p1 $0x3, s6  }
0x135: {  	v24 =	vadd.s32 @p1 v8, v20;
	s10 =	sadd.s32 @p1 $0x400, s11;
	s18 =	rddreg [dreg:$0x1f];
	s0 =	sshll.u32 @p1 s0, $0x8;
	[tilespmem:s1+$0x800] =	vst @p1 v29;
	v29 =	vld.idx.msk @p1 [tilespmem:v34+s8+$0x0], $0xffff  }
0x136: {  	s4 =	simm.s32 $0x0;
	v35 =	vadd.s32 @p1 v9, v21;
	s15 =	smov.u32 s18;
	s0 =	sadd.s32 @p1 s11, s0;
	v26 =	vld.idx.msk [tilespmem:v26+s8+$0x0], $0xffff  }
0x137: {  	s4 =	smov.u32 @p1 s10;
	s15 =	smov.u32 @p1 s2;
	[tilespmem:s13+$0x800] =	vst @p4 v25;
	s0 =	sadd.s32 @p1 $0x100, s0;
	v49 =	vld.idx.msk [tilespmem:v30+s8+$0x0], $0xffff;
	v30 =	vadd.s32 v1, v23  }
0x138: {  	v50 =	vadd.s32 v1, v18;
	s10 =	sand.u32 $0xFFFFF800, s4;
	s24 =	sadd.s32 $0xFFFFFF80, s15;
	[tilespmem:s22+$0x800] =	vst @p4 v27;
	v27 =	vld.idx.msk [tilespmem:v47+s8+$0x0], $0xffff;
	s2 =	sor.u32 @p1 $0x400, s0  }
0x139: {  	v51 =	vadd.s32 v1, v17;
	s25 =	sadd.s32 $0x800, s10;
	s28 =	sadd.s32 $0xFFFFFF00, s15;
	s26 =	sand.u32 $0x300, s24;
	[tilespmem:s2+$0x800] =	vst @p1 v28;
	v28 =	vld.idx.msk [tilespmem:v48+s8+$0x0], $0xffff  }
0x13a: {  	v52 =	vadd.s32 v1, v16;
	v24 =	vld.idx.msk @p1 [tilespmem:v24+s8+$0x0], $0xffff;
	s11 =	sand.u32 $0x280, s28;
	s30 =	sor.u32 s26, s25;
	s1 =	sadd.s32 $0xFFFFFE80, s15;
	[tilespmem:s14+$0x800] =	vst @p1 v29  }
0x13b: {  	v31 =	vadd.s32 @p1 v9, v22;
	s11 =	sor.u32 s11, s25;
	s10 =	sand.u32 $0x200, s1;
	v29 =	vld.idx.msk @p1 [tilespmem:v35+s8+$0x0], $0xffff;
	[tilespmem:s30+$0x0] =	vst v26  }
0x13c: {  	s15 =	sand.u32 $0x380, s15;
	s10 =	sor.u32 s10, s25;
	[tilespmem:s11+$0x0] =	vst v49;
	v35 =	vadd.s32 @p1 v9, v19;
	v53 =	vld.idx.msk [tilespmem:v30+s8+$0x0], $0xffff  }
0x13d: {  	s2 =	sor.u32 s15, s25;
	[tilespmem:s10+$0x0] =	vst v27;
	v27 =	vadd.s32 v2, v23;
	v30 =	vld.idx.msk [tilespmem:v50+s8+$0x0], $0xffff  }
0x13e: {  	v55 =	vadd.s32 v2, v18;
	v54 =	vld.idx.msk [tilespmem:v51+s8+$0x0], $0xffff;
	[tilespmem:s2+$0x0] =	vst v28  }
0x13f: {  	[tilespmem:s3+$0x800] =	vst @p1 v24;
	v28 =	vadd.s32 v2, v17;
	v56 =	vld.idx.msk [tilespmem:v52+s8+$0x0], $0xffff  }
0x140: {  	v57 =	vadd.s32 v2, v16;
	v31 =	vld.idx.msk @p1 [tilespmem:v31+s8+$0x0], $0xffff;
	[tilespmem:s7+$0x800] =	vst @p1 v29  }
0x141: {  	v26 =	vadd.s32 @p1 v9, v20;
	v29 =	vld.idx.msk @p1 [tilespmem:v35+s8+$0x0], $0xffff;
	[tilespmem:s30+$0x10] =	vst v53  }
0x142: {  	v35 =	vadd.s32 @p1 v10, v21;
	[tilespmem:s11+$0x10] =	vst v30;
	v27 =	vld.idx.msk [tilespmem:v27+s8+$0x0], $0xffff  }
0x143: {  	v58 =	vadd.s32 v3, v23;
	[tilespmem:s10+$0x10] =	vst v54;
	v30 =	vld.idx.msk [tilespmem:v55+s8+$0x0], $0xffff  }
0x144: {  	v59 =	vadd.s32 v3, v18;
	s15 =	sor.u32 @p1 $0x410, s0;
	v28 =	vld.idx.msk [tilespmem:v28+s8+$0x0], $0xffff;
	[tilespmem:s2+$0x10] =	vst v56  }
0x145: {  	[tilespmem:s15+$0x800] =	vst @p1 v31;
	v31 =	vadd.s32 v3, v17;
	v24 =	vld.idx.msk [tilespmem:v57+s8+$0x0], $0xffff  }
0x146: {  	v60 =	vadd.s32 v3, v16;
	v26 =	vld.idx.msk @p1 [tilespmem:v26+s8+$0x0], $0xffff;
	[tilespmem:s12+$0x800] =	vst @p1 v29  }
0x147: {  	v25 =	vadd.s32 @p1 v10, v22;
	v29 =	vld.idx.msk @p1 [tilespmem:v35+s8+$0x0], $0xffff;
	[tilespmem:s30+$0x20] =	vst v27  }
0x148: {  	v35 =	vadd.s32 @p1 v10, v19;
	[tilespmem:s11+$0x20] =	vst v30;
	v30 =	vld.idx.msk [tilespmem:v58+s8+$0x0], $0xffff  }
0x149: {  	[tilespmem:s10+$0x20] =	vst v28;
	v28 =	vadd.s32 v4, v23;
	v61 =	vld.idx.msk [tilespmem:v59+s8+$0x0], $0xffff  }
0x14a: {  	v62 =	vadd.s32 v4, v18;
	v31 =	vld.idx.msk [tilespmem:v31+s8+$0x0], $0xffff;
	[tilespmem:s2+$0x20] =	vst v24  }
0x14b: {  	v63 =	vadd.s32 v4, v17;
	[tilespmem:s16+$0x800] =	vst @p1 v26;
	v24 =	vld.idx.msk [tilespmem:v60+s8+$0x0], $0xffff  }
0x14c: {  	v36 =	vadd.s32 v4, v16;
	v25 =	vld.idx.msk @p1 [tilespmem:v25+s8+$0x0], $0xffff;
	[tilespmem:s21+$0x800] =	vst @p1 v29  }
0x14d: {  	v29 =	vld.idx.msk @p1 [tilespmem:v35+s8+$0x0], $0xffff;
	v27 =	vadd.s32 @p1 v10, v20;
	[tilespmem:s30+$0x30] =	vst v30  }
0x14e: {  	v30 =	vadd.s32 @p1 v11, v22;
	[tilespmem:s11+$0x30] =	vst v61;
	v28 =	vld.idx.msk [tilespmem:v28+s8+$0x0], $0xffff  }
0x14f: {  	[tilespmem:s10+$0x30] =	vst v31;
	v31 =	vadd.s32 v5, v23;
	v32 =	vld.idx.msk [tilespmem:v62+s8+$0x0], $0xffff  }
0x150: {  	v37 =	vadd.s32 v5, v18;
	v26 =	vld.idx.msk [tilespmem:v63+s8+$0x0], $0xffff;
	[tilespmem:s2+$0x30] =	vst v24  }
0x151: {  	v38 =	vadd.s32 v5, v17;
	s15 =	sor.u32 @p1 $0x420, s0;
	v24 =	vld.idx.msk [tilespmem:v36+s8+$0x0], $0xffff  }
0x152: {  	v39 =	vadd.s32 v5, v16;
	[tilespmem:s15+$0x800] =	vst @p1 v25;
	v27 =	vld.idx.msk @p1 [tilespmem:v27+s8+$0x0], $0xffff  }
0x153: {  	v30 =	vld.idx.msk @p1 [tilespmem:v30+s8+$0x0], $0xffff;
	[tilespmem:s30+$0x40] =	vst v28  }
0x154: {  	v35 =	vadd.s32 @p1 v11, v21;
	[tilespmem:s11+$0x40] =	vst v32;
	v31 =	vld.idx.msk [tilespmem:v31+s8+$0x0], $0xffff  }
0x155: {  	v40 =	vadd.s32 v6, v23;
	[tilespmem:s10+$0x40] =	vst v26;
	v32 =	vld.idx.msk [tilespmem:v37+s8+$0x0], $0xffff  }
0x156: {  	v41 =	vadd.s32 v6, v18;
	v25 =	vld.idx.msk [tilespmem:v38+s8+$0x0], $0xffff;
	[tilespmem:s2+$0x40] =	vst v24  }
0x157: {  	s15 =	sor.u32 @p1 $0x430, s0;
	[tilespmem:s9+$0x800] =	vst @p1 v27;
	v24 =	vld.idx.msk [tilespmem:v39+s8+$0x0], $0xffff;
	v27 =	vadd.s32 v6, v17  }
0x158: {  	v42 =	vadd.s32 v6, v16;
	[tilespmem:s15+$0x800] =	vst @p1 v30  }
0x159: {  	v28 =	vadd.s32 @p1 v11, v20;
	v30 =	vld.idx.msk @p1 [tilespmem:v35+s8+$0x0], $0xffff;
	[tilespmem:s30+$0x50] =	vst v31  }
0x15a: {  	v35 =	vadd.s32 @p1 v12, v22;
	[tilespmem:s11+$0x50] =	vst v32;
	v26 =	vld.idx.msk [tilespmem:v40+s8+$0x0], $0xffff  }
0x15b: {  	v43 =	vadd.s32 v7, v23;
	[tilespmem:s10+$0x50] =	vst v25;
	v32 =	vld.idx.msk [tilespmem:v41+s8+$0x0], $0xffff  }
0x15c: {  	v44 =	vadd.s32 v7, v18;
	v27 =	vld.idx.msk [tilespmem:v27+s8+$0x0], $0xffff;
	[tilespmem:s2+$0x50] =	vst v24  }
0x15d: {  	[tilespmem:s20+$0x800] =	vst @p1 v29;
	v29 =	vadd.s32 v7, v17;
	v24 =	vld.idx.msk [tilespmem:v42+s8+$0x0], $0xffff  }
0x15e: {  	v28 =	vld.idx.msk @p1 [tilespmem:v28+s8+$0x0], $0xffff;
	[tilespmem:s5+$0x800] =	vst @p1 v30;
	v30 =	vadd.s32 v7, v16  }
0x15f: {  	v31 =	vadd.s32 @p1 v11, v19;
	v34 =	vld.idx.msk @p1 [tilespmem:v35+s8+$0x0], $0xffff;
	[tilespmem:s30+$0x60] =	vst v26  }
0x160: {  	[tilespmem:s11+$0x60] =	vst v32;
	v25 =	vld.idx.msk [tilespmem:v43+s8+$0x0], $0xffff  }
0x161: {  	[tilespmem:s10+$0x60] =	vst v27;
	v27 =	vadd.s32 v8, v23;
	v32 =	vld.idx.msk [tilespmem:v44+s8+$0x0], $0xffff  }
0x162: {  	v45 =	vadd.s32 v8, v18;
	v29 =	vld.idx.msk [tilespmem:v29+s8+$0x0], $0xffff;
	[tilespmem:s2+$0x60] =	vst v24  }
0x163: {  	v46 =	vadd.s32 v8, v17;
	s5 =	sor.u32 @p1 $0x440, s0;
	[tilespmem:s31+$0x800] =	vst @p1 v28;
	v30 =	vld.idx.msk [tilespmem:v30+s8+$0x0], $0xffff  }
0x164: {  	s12 =	sadd.s32 @p1 $0x2, s6;
	v28 =	vadd.s32 v8, v16;
	v31 =	vld.idx.msk @p1 [tilespmem:v31+s8+$0x0], $0xffff;
	[tilespmem:s5+$0x800] =	vst @p1 v34;
	s5 =	simm.s32 $0x0  }
0x165: {  	s3 =	simm.s32 $0x0;
	s6 =	sadd.s32 @p1 $0x4, s19;
	v26 =	vadd.s32 @p1 v13, v22;
	s5 =	smov.u32 @p1 s12;
	[tilespmem:s30+$0x70] =	vst v25  }
0x166: {  	p3 =	por @p1 !p3, !p3;
	s3 =	smov.u32 @p1 s6;
	s5 =	sand.u32 $0x3, s5;
	v25 =	vadd.s32 @p1 v12, v20;
	[tilespmem:s11+$0x70] =	vst v32;
	v27 =	vld.idx.msk [tilespmem:v27+s8+$0x0], $0xffff  }
0x167: {  	p3 =	por @!p1 p2, p2;
	s3 =	sand.u32 $0x7, s3;
	[tilespmem:s10+$0x70] =	vst v29;
	v29 =	vadd.s32 v9, v23;
	s5 =	sshll.u32 s5, $0x8;
	v24 =	vld.idx.msk [tilespmem:v45+s8+$0x0], $0xffff  }
0x168: {  	s6 =	simm.s32 $0x1;
	s3 =	sshll.u32 s3, $0x7;
	v33 =	vld.idx.msk [tilespmem:v46+s8+$0x0], $0xffff;
	s5 =	sadd.s32 s4, s5;
	[tilespmem:s2+$0x70] =	vst v30;
	v30 =	vadd.s32 v9, v18  }
0x169: {  	s6 =	simm.s32 @!p3 $0x0;
	s13 =	sadd.s32 s4, s3;
	[tilespmem:s17+$0x800] =	vst @p1 v31;
	v31 =	vadd.s32 v9, v17;
	s1 =	sadd.s32 $0x100, s5;
	v28 =	vld.idx.msk [tilespmem:v28+s8+$0x0], $0xffff  }
0x16a: {  	v47 =	vadd.s32 v9, v16;
	s14 =	sshll.u32 s6, $0x9;
	s3 =	sadd.s32 $0x80, s13;
	v26 =	vld.idx.msk @p1 [tilespmem:v26+s8+$0x0], $0xffff;
	s15 =	sor.u32 $0x400, s1  }
0x16b: {  	s16 =	sor.u32 $0x400, s3;
	v35 =	vadd.s32 @p1 v12, v21;
	s4 =	sadd.s32 s14, s4;
	v25 =	vld.idx.msk @p1 [tilespmem:v25+s8+$0x0], $0xffff;
	[tilespmem:s15+$0x800] =	vst v27  }
0x16c: {  	s5 =	sadd.s32 $0x180, s13;
	s17 =	sor.u32 $0x400, s4;
	v27 =	vadd.s32 @p1 v14, v22;
	[tilespmem:s16+$0x800] =	vst v24;
	v29 =	vld.idx.msk [tilespmem:v29+s8+$0x0], $0xffff  }
0x16d: {  	v48 =	vadd.s32 v10, v23;
	[tilespmem:s17+$0x800] =	vst v33;
	s19 =	sor.u32 $0x400, s5;
	v30 =	vld.idx.msk [tilespmem:v30+s8+$0x0], $0xffff  }
0x16e: {  	s10 =	sor.u32 @p1 $0x450, s0;
	[tilespmem:s19+$0x800] =	vst v28;
	v28 =	vld.idx.msk [tilespmem:v31+s8+$0x0], $0xffff;
	v31 =	vadd.s32 v10, v18  }
0x16f: {  	v49 =	vadd.s32 v10, v17;
	[tilespmem:s10+$0x800] =	vst @p1 v26;
	v26 =	vld.idx.msk [tilespmem:v47+s8+$0x0], $0xffff  }
0x170: {  	v50 =	vadd.s32 v10, v16;
	v34 =	vld.idx.msk @p1 [tilespmem:v35+s8+$0x0], $0xffff;
	s20 =	sor.u32 $0x410, s1;
	s2 =	sld [smem:$0x7F6];
	[tilespmem:s23+$0x800] =	vst @p1 v25  }
0x171: {  	s21 =	sor.u32 $0x410, s3;
	v32 =	vadd.s32 @p1 v12, v19;
	v27 =	vld.idx.msk @p1 [tilespmem:v27+s8+$0x0], $0xffff;
	[tilespmem:s20+$0x800] =	vst v29  }
0x172: {  	s22 =	sor.u32 $0x410, s4;
	[tilespmem:s21+$0x800] =	vst v30;
	v30 =	vld.idx.msk [tilespmem:v48+s8+$0x0], $0xffff  }
0x173: {  	s23 =	sor.u32 $0x410, s5;
	[tilespmem:s22+$0x800] =	vst v28;
	v28 =	vld.idx.msk [tilespmem:v31+s8+$0x0], $0xffff  }
0x174: {  	v22 =	vadd.s32 @p1 v15, v22;
	[tilespmem:s23+$0x800] =	vst v26;
	v51 =	vld.idx.msk [tilespmem:v49+s8+$0x0], $0xffff  }
0x175: {  	v24 =	vadd.s32 @p1 v13, v21;
	[tilespmem:s2+$0x800] =	vst @p1 v34;
	s2 =	sor.u32 @p1 $0x460, s0;
	v25 =	vld.idx.msk [tilespmem:v50+s8+$0x0], $0xffff  }
0x176: {  	s24 =	sor.u32 $0x420, s1;
	v32 =	vld.idx.msk @p1 [tilespmem:v32+s8+$0x0], $0xffff;
	v31 =	vadd.s32 v11, v23;
	[tilespmem:s2+$0x800] =	vst @p1 v27  }
0x177: {  	v52 =	vadd.s32 v11, v18;
	s25 =	sor.u32 $0x420, s3;
	s2 =	sld [smem:$0x7F5];
	[tilespmem:s24+$0x800] =	vst v30  }
0x178: {  	v53 =	vadd.s32 v11, v16;
	s26 =	sor.u32 $0x420, s4;
	[tilespmem:s25+$0x800] =	vst v28  }
0x179: {  	s28 =	sor.u32 $0x420, s5;
	v27 =	vadd.s32 v11, v17;
	v22 =	vld.idx.msk @p1 [tilespmem:v22+s8+$0x0], $0xffff;
	[tilespmem:s26+$0x800] =	vst v51  }
0x17a: {  	v24 =	vld.idx.msk @p1 [tilespmem:v24+s8+$0x0], $0xffff;
	[tilespmem:s28+$0x800] =	vst v25  }
0x17b: {  	v31 =	vld.idx.msk [tilespmem:v31+s8+$0x0], $0xffff;
	[tilespmem:s2+$0x800] =	vst @p1 v32  }
0x17c: {  	v33 =	vld.idx.msk [tilespmem:v52+s8+$0x0], $0xffff;
	s2 =	sld [smem:$0x7F7]  }
0x17d: {  	s0 =	sor.u32 @p1 $0x470, s0;
	v29 =	vadd.s32 @p1 v13, v20;
	v56 =	vld.idx.msk [tilespmem:v53+s8+$0x0], $0xffff  }
0x17e: {  	v54 =	vadd.s32 v12, v23;
	v55 =	vld.idx.msk [tilespmem:v27+s8+$0x0], $0xffff;
	[tilespmem:s0+$0x800] =	vst @p1 v22  }
0x17f: {  	s30 =	sor.u32 $0x430, s1;
	v27 =	vadd.s32 v12, v18;
	[tilespmem:s2+$0x800] =	vst @p1 v24  }
0x180: {  	v57 =	vadd.s32 v12, v17;
	s31 =	sor.u32 $0x430, s3;
	[tilespmem:s30+$0x800] =	vst v31  }
0x181: {  	s6 =	sor.u32 $0x430, s5;
	v22 =	vadd.s32 v12, v16;
	[tilespmem:s31+$0x800] =	vst v33  }
0x182: {  	v29 =	vld.idx.msk @p1 [tilespmem:v29+s8+$0x0], $0xffff;
	v30 =	vadd.s32 @p1 v13, v19;
	s2 =	sor.u32 $0x430, s4;
	[tilespmem:s6+$0x800] =	vst v56  }
0x183: {  	v26 =	vld.idx.msk [tilespmem:v54+s8+$0x0], $0xffff;
	[tilespmem:s2+$0x800] =	vst v55  }
0x184: {  	v27 =	vld.idx.msk [tilespmem:v27+s8+$0x0], $0xffff;
	s0 =	sld [smem:$0x7F4]  }
0x185: {  	v59 =	vld.idx.msk [tilespmem:v57+s8+$0x0], $0xffff  }
0x186: {  	v28 =	vadd.s32 @p1 v14, v21;
	v22 =	vld.idx.msk [tilespmem:v22+s8+$0x0], $0xffff  }
0x187: {  	s7 =	sor.u32 $0x440, s1;
	v30 =	vld.idx.msk @p1 [tilespmem:v30+s8+$0x0], $0xffff;
	[tilespmem:s0+$0x800] =	vst @p1 v29  }
0x188: {  	s9 =	sor.u32 $0x440, s3;
	s0 =	sld [smem:$0x7F8];
	[tilespmem:s7+$0x800] =	vst v26  }
0x189: {  	v58 =	vadd.s32 v13, v23;
	s10 =	sor.u32 $0x440, s4;
	[tilespmem:s9+$0x800] =	vst v27  }
0x18a: {  	s11 =	sor.u32 $0x440, s5;
	v31 =	vadd.s32 @p1 v14, v20;
	[tilespmem:s10+$0x800] =	vst v59  }
0x18b: {  	v60 =	vadd.s32 v13, v18;
	v28 =	vld.idx.msk @p1 [tilespmem:v28+s8+$0x0], $0xffff;
	[tilespmem:s11+$0x800] =	vst v22  }
0x18c: {  	v29 =	vadd.s32 v13, v17;
	[tilespmem:s0+$0x800] =	vst @p1 v30  }
0x18d: {  	v30 =	vadd.s32 v13, v16;
	s0 =	sld [smem:$0x7F9]  }
0x18e: {  	v21 =	vadd.s32 @p1 v15, v21;
	v25 =	vld.idx.msk [tilespmem:v58+s8+$0x0], $0xffff  }
0x18f: {  	v61 =	vadd.s32 v14, v23;
	v31 =	vld.idx.msk @p1 [tilespmem:v31+s8+$0x0], $0xffff  }
0x190: {  	v33 =	vadd.s32 @p1 v14, v19;
	v27 =	vld.idx.msk [tilespmem:v60+s8+$0x0], $0xffff;
	[tilespmem:s0+$0x800] =	vst @p1 v28  }
0x191: {  	v22 =	vld.idx.msk [tilespmem:v29+s8+$0x0], $0xffff;
	v29 =	vadd.s32 v14, v18;
	s0 =	sld [smem:$0x7FA]  }
0x192: {  	s12 =	sor.u32 $0x450, s1;
	v28 =	vld.idx.msk [tilespmem:v30+s8+$0x0], $0xffff  }
0x193: {  	v30 =	vadd.s32 v14, v17;
	v21 =	vld.idx.msk @p1 [tilespmem:v21+s8+$0x0], $0xffff;
	[tilespmem:s12+$0x800] =	vst v25  }
0x194: {  	s13 =	sor.u32 $0x450, s3;
	v20 =	vadd.s32 @p1 v15, v20;
	v24 =	vld.idx.msk [tilespmem:v61+s8+$0x0], $0xffff;
	[tilespmem:s0+$0x800] =	vst @p1 v31;
	v31 =	vadd.s32 v14, v16  }
0x195: {  	s14 =	sor.u32 $0x450, s4;
	v20 =	vpsel p1, v20, v0;
	v26 =	vld.idx.msk @p1 [tilespmem:v33+s8+$0x0], $0xffff;
	[tilespmem:s13+$0x800] =	vst v27  }
0x196: {  	s15 =	sor.u32 $0x450, s5;
	s2 =	rddreg [dreg:$0xc];
	[tilespmem:s14+$0x800] =	vst v22;
	v22 =	vadd.s32 v15, v23;
	v23 =	vld.idx.msk [tilespmem:v29+s8+$0x0], $0xffff  }
0x197: {  	v19 =	vadd.s32 @p1 v15, v19;
	v18 =	vadd.s32 v15, v18;
	[tilespmem:s15+$0x800] =	vst v28  }
0x198: {  	s16 =	sor.u32 $0x460, s1;
	v19 =	vpsel p1, v19, v0;
	v62 =	vld.idx.msk [tilespmem:v30+s8+$0x0], $0xffff;
	s0 =	rddreg [dreg:$0x5]  }
0x199: {  	v17 =	vadd.s32 v15, v17;
	v21 =	vpsel p1, v21, v0;
	[tilespmem:s16+$0x800] =	vst v24;
	s0 =	smov.u32 @p1 s0;
	v63 =	vld.idx.msk [tilespmem:v31+s8+$0x0], $0xffff  }
0x19a: {  	s17 =	sor.u32 $0x460, s3;
	v16 =	vadd.s32 v15, v16;
	v20 =	vld.idx.msk @p1 [tilespmem:v20+s8+$0x0], $0xffff;
	[tilespmem:s0+$0x800] =	vst @p1 v21  }
0x19b: {  	v25 =	vpsel p1, v26, v0;
	s2 =	smov.u32 @p1 s2;
	[tilespmem:s17+$0x800] =	vst v23;
	v21 =	vld.idx.msk [tilespmem:v22+s8+$0x0], $0xffff  }
0x19c: {  	s19 =	sor.u32 $0x460, s4;
	[tilespmem:s2+$0x800] =	vst @p1 v25;
	v18 =	vld.idx.msk [tilespmem:v18+s8+$0x0], $0xffff  }
0x19d: {  	s20 =	sor.u32 $0x460, s5;
	v19 =	vld.idx.msk @p1 [tilespmem:v19+s8+$0x0], $0xffff;
	s2 =	rddreg [dreg:$0x4];
	[tilespmem:s19+$0x800] =	vst v62  }
0x19e: {  	s2 =	smov.u32 @p1 s2;
	v17 =	vld.idx.msk [tilespmem:v17+s8+$0x0], $0xffff;
	[tilespmem:s20+$0x800] =	vst v63  }
0x19f: {  	s21 =	sor.u32 $0x470, s1;
	s0 =	rddreg [dreg:$0xd];
	[tilespmem:s2+$0x800] =	vst @p1 v20;
	v16 =	vld.idx.msk [tilespmem:v16+s8+$0x0], $0xffff  }
0x1a0: {  	s22 =	sor.u32 $0x470, s3;
	[tilespmem:s21+$0x800] =	vst v21  }
0x1a1: {  	s0 =	smov.u32 @p1 s0;
	[tilespmem:s22+$0x800] =	vst v18  }
0x1a2: {  	s23 =	sor.u32 $0x470, s4;
	[tilespmem:s0+$0x800] =	vst @p1 v19  }
0x1a3: {  	s24 =	sor.u32 $0x470, s5;
	[tilespmem:s23+$0x800] =	vst v17  }
0x1a4: {  	[tilespmem:s24+$0x800] =	vst v16  }
0x1a5: {  	s2 =	sld [smem:$0x7FB];
	_ =	sdelay $0x1  }
0x1a6: {  	s14 =	rddreg [dreg:$0x1c]  }
0x1a7: {  	s25 =	sadd.s32 s14, s2  }
0x1a8: {  	s13 =	rddreg [dreg:$0x1];
	s0 =	sshll.u32 s25, $0x5  }
0x1a9: {  	s26 =	simm.s32 $0x800;
	s0 =	sadd.s32 s13, s0  }
0x1aa: {  	[hbm4b:s0+s29] =	stream.linear.scatter [tilespmem:s26], [sflag:$0x1], $0x8000, $0x38;
	[tilespmem:$0x10800] =	vst v63  }
0x1ab: {  	s0 =	simm.s32 @!p0 $0x1  }
0x1ac: {  	_ =	swait.ge @!p0 [sflag:s0], $0x8000  }
0x1ad: {  	s12 =	rddreg [dreg:$0x3]  }
0x1ae: {  	v16 =	vmov s12;
	s28 =	sadd.s32 $0x1, s12  }
0x1af: {  	s30 =	sadd.s32 $0x3, s12;
	v16 =	vand.u32 $0xFFFFFFFC, v16;
	v17 =	vmov s28  }
0x1b0: {  	v18 =	vmov s30;
	v16 =	vbroadcast v16, $0x0;
	v17 =	vand.u32 $0xFFFFFFFD, v17  }
0x1b1: {  	s22 =	sadd.s32 $0x100, s2;
	s1 =	sadd.s32 $0x4, s12;
	v17 =	vbroadcast v17, $0x0  }
0x1b2: {  	p2 =	slt.u32 s1, s22  }
.Ltmp7:
0x1b3: {  	[sflag:s0] =	ssyncset.done @!p0 $0x0;
	(pc) =	sbr.rel @!p2 .LBB2_13-.Ltmp7, $4  }
0x1b4: {  	[sflag:s0] =	ssyncadd.s32 @!p0 $0xFFFF8000;
	s31 =	sadd.s32 $0x2, s12  }
0x1b5: {  	v19 =	vld.idx.msk [tilespmem:v18+s29+$0x0], $0xffff;
	v18 =	vmov s31  }
0x1b6: {  	s11 =	simm.s32 $0x0;
	s19 =	simm.s32 $0x0;
	v20 =	vld.idx.msk [tilespmem:v16+s29+$0x0], $0xffff;
	v16 =	vand.u32 $0xFFFFFFFE, v18  }
0x1b7: {  	p1 =	por $0x0, $0x0;
	s10 =	sld [smem:$0x7FC];
	p0 =	por $0x0, $0x0;
	v21 =	vld.idx.msk [tilespmem:v17+s29+$0x0], $0xffff;
	v29 =	vbroadcast v16, $0x0  }
0x1b8: {  	_ =	sdelay $0x4  }
0x1b9: {  	v23 =	vld.idx.msk [tilespmem:v29+s29+$0x0], $0xffff;
	_ =	sdelay $0x3  }
0x1ba: {  	v22 =	vadd.s32 v0, v19  }
0x1bb: {  	v16 =	vadd.s32 v0, v23  }
0x1bc: {  	v17 =	vadd.s32 v0, v21  }
0x1bd: {  	v18 =	vadd.s32 v0, v20;
	_ =	sdelay $0x1  }
0x1be: {  	v22 =	vld.idx.msk [tilespmem:v22+s8+$0x0], $0xffff  }
0x1bf: {  	v27 =	vadd.s32 v1, v19;
	v16 =	vld.idx.msk [tilespmem:v16+s8+$0x0], $0xffff  }
0x1c0: {  	s0 =	sand.u32 $0xFFFFF800, s19;
	v24 =	vadd.s32 v1, v23;
	v17 =	vld.idx.msk [tilespmem:v17+s8+$0x0], $0xffff  }
0x1c1: {  	s3 =	sadd.s32 $0x8800, s0;
	s2 =	sadd.s32 $0xFFFFFF80, s10;
	s26 =	sand.u32 $0x380, s10;
	v25 =	vadd.s32 v1, v21;
	v18 =	vld.idx.msk [tilespmem:v18+s8+$0x0], $0xffff  }
0x1c2: {  	s24 =	sadd.s32 $0xFFFFFF00, s10;
	s2 =	sand.u32 $0x300, s2;
	v26 =	vadd.s32 v1, v20;
	s20 =	sor.u32 s26, s3  }
0x1c3: {  	s4 =	sadd.s32 $0xFFFFFE80, s10;
	s5 =	sand.u32 $0x280, s24;
	s0 =	sor.u32 s2, s3;
	[tilespmem:s20+$0x0] =	vst v22  }
0x1c4: {  	s25 =	sand.u32 $0x200, s4;
	s15 =	sor.u32 s5, s3;
	v22 =	vld.idx.msk [tilespmem:v27+s8+$0x0], $0xffff;
	[tilespmem:s0+$0x0] =	vst v16  }
0x1c5: {  	s21 =	sor.u32 s25, s3;
	v27 =	vadd.s32 v2, v19;
	[tilespmem:s15+$0x0] =	vst v17;
	v16 =	vld.idx.msk [tilespmem:v24+s8+$0x0], $0xffff  }
0x1c6: {  	[tilespmem:s21+$0x0] =	vst v18;
	v18 =	vadd.s32 v2, v23;
	v17 =	vld.idx.msk [tilespmem:v25+s8+$0x0], $0xffff  }
0x1c7: {  	v25 =	vadd.s32 v2, v21;
	v24 =	vld.idx.msk [tilespmem:v26+s8+$0x0], $0xffff  }
0x1c8: {  	v26 =	vadd.s32 v2, v20  }
0x1c9: {  	[tilespmem:s20+$0x10] =	vst v22  }
0x1ca: {  	v22 =	vld.idx.msk [tilespmem:v27+s8+$0x0], $0xffff;
	[tilespmem:s0+$0x10] =	vst v16  }
0x1cb: {  	v27 =	vadd.s32 v3, v19;
	[tilespmem:s15+$0x10] =	vst v17;
	v16 =	vld.idx.msk [tilespmem:v18+s8+$0x0], $0xffff  }
0x1cc: {  	v17 =	vld.idx.msk [tilespmem:v25+s8+$0x0], $0xffff;
	[tilespmem:s21+$0x10] =	vst v24;
	v18 =	vadd.s32 v3, v23  }
0x1cd: {  	v25 =	vadd.s32 v3, v21;
	v24 =	vld.idx.msk [tilespmem:v26+s8+$0x0], $0xffff  }
0x1ce: {  	v26 =	vadd.s32 v3, v20  }
0x1cf: {  	[tilespmem:s20+$0x20] =	vst v22  }
0x1d0: {  	v22 =	vld.idx.msk [tilespmem:v27+s8+$0x0], $0xffff;
	[tilespmem:s0+$0x20] =	vst v16  }
0x1d1: {  	v27 =	vadd.s32 v4, v19;
	[tilespmem:s15+$0x20] =	vst v17;
	v16 =	vld.idx.msk [tilespmem:v18+s8+$0x0], $0xffff  }
0x1d2: {  	v17 =	vld.idx.msk [tilespmem:v25+s8+$0x0], $0xffff;
	[tilespmem:s21+$0x20] =	vst v24;
	v18 =	vadd.s32 v4, v23  }
0x1d3: {  	v25 =	vadd.s32 v4, v21;
	v24 =	vld.idx.msk [tilespmem:v26+s8+$0x0], $0xffff  }
0x1d4: {  	v26 =	vadd.s32 v4, v20  }
0x1d5: {  	[tilespmem:s20+$0x30] =	vst v22  }
0x1d6: {  	v22 =	vld.idx.msk [tilespmem:v27+s8+$0x0], $0xffff;
	[tilespmem:s0+$0x30] =	vst v16  }
0x1d7: {  	v27 =	vadd.s32 v5, v19;
	[tilespmem:s15+$0x30] =	vst v17;
	v16 =	vld.idx.msk [tilespmem:v18+s8+$0x0], $0xffff  }
0x1d8: {  	v17 =	vld.idx.msk [tilespmem:v25+s8+$0x0], $0xffff;
	[tilespmem:s21+$0x30] =	vst v24;
	v18 =	vadd.s32 v5, v23  }
0x1d9: {  	v25 =	vadd.s32 v5, v21;
	v24 =	vld.idx.msk [tilespmem:v26+s8+$0x0], $0xffff  }
0x1da: {  	v26 =	vadd.s32 v5, v20  }
0x1db: {  	[tilespmem:s20+$0x40] =	vst v22  }
0x1dc: {  	v27 =	vld.idx.msk [tilespmem:v27+s8+$0x0], $0xffff;
	[tilespmem:s0+$0x40] =	vst v16  }
0x1dd: {  	v30 =	vadd.s32 v6, v19;
	[tilespmem:s15+$0x40] =	vst v17;
	v17 =	vld.idx.msk [tilespmem:v18+s8+$0x0], $0xffff  }
0x1de: {  	[tilespmem:s21+$0x40] =	vst v24;
	v24 =	vadd.s32 v6, v23;
	v18 =	vld.idx.msk [tilespmem:v25+s8+$0x0], $0xffff  }
0x1df: {  	s30 =	sadd.s32 $0x1, s1;
	v28 =	vadd.s32 v6, v21;
	v25 =	vmov s1;
	v26 =	vld.idx.msk [tilespmem:v26+s8+$0x0], $0xffff  }
0x1e0: {  	s28 =	sadd.s32 $0x3, s1;
	v29 =	vadd.s32 v6, v20;
	v22 =	vand.u32 $0xFFFFFFFC, v25;
	v25 =	vmov s30  }
0x1e1: {  	v16 =	vmov s28;
	[tilespmem:s20+$0x50] =	vst v27;
	v22 =	vbroadcast v22, $0x0;
	v25 =	vand.u32 $0xFFFFFFFD, v25  }
0x1e2: {  	v32 =	vld.idx.msk [tilespmem:v30+s8+$0x0], $0xffff;
	v25 =	vbroadcast v25, $0x0;
	[tilespmem:s0+$0x50] =	vst v17  }
0x1e3: {  	[tilespmem:s15+$0x50] =	vst v18;
	v24 =	vld.idx.msk [tilespmem:v24+s8+$0x0], $0xffff  }
0x1e4: {  	[tilespmem:s21+$0x50] =	vst v26;
	v26 =	vadd.s32 v7, v23;
	v28 =	vld.idx.msk [tilespmem:v28+s8+$0x0], $0xffff  }
0x1e5: {  	v31 =	vadd.s32 v7, v21;
	v29 =	vld.idx.msk [tilespmem:v29+s8+$0x0], $0xffff  }
0x1e6: {  	s3 =	sadd.s32 $0x4, s1;
	v30 =	vadd.s32 v7, v20;
	v16 =	vld.idx.msk [tilespmem:v16+s29+$0x0], $0xffff  }
0x1e7: {  	p2 =	slt.u32 s3, s22;
	v18 =	vld.idx.msk [tilespmem:v22+s29+$0x0], $0xffff;
	v22 =	vadd.s32 v7, v19  }
.Ltmp8:
0x1e8: {  	v17 =	vld.idx.msk [tilespmem:v25+s29+$0x0], $0xffff;
	[tilespmem:s0+$0x60] =	vst v24;
	(pc) =	sbr.rel @!p2 .LBB2_15-.Ltmp8, $4  }
0x1e9: {  	s31 =	sadd.s32 $0x2, s1;
	[tilespmem:s15+$0x60] =	vst v28;
	v27 =	vld.idx.msk [tilespmem:v26+s8+$0x0], $0xffff  }
0x1ea: {  	v24 =	vmov s31;
	[tilespmem:s21+$0x60] =	vst v29;
	v28 =	vld.idx.msk [tilespmem:v31+s8+$0x0], $0xffff  }
0x1eb: {  	[tilespmem:s20+$0x60] =	vst v32;
	v24 =	vand.u32 $0xFFFFFFFE, v24;
	v30 =	vld.idx.msk [tilespmem:v30+s8+$0x0], $0xffff  }
0x1ec: {  	p0 =	por $0x1, $0x1;
	v34 =	vadd.s32 v8, v21;
	v33 =	vadd.s32 v8, v23;
	v29 =	vbroadcast v24, $0x0;
	v31 =	vld.idx.msk [tilespmem:v22+s8+$0x0], $0xffff  }
0x1ed: {  	_ =	sdelay $0x1  }
0x1ee: {  	v24 =	vadd.s32 v8, v20  }
0x1ef: {  	v22 =	vmov s3;
	v25 =	vadd.s32 v8, v19;
	[tilespmem:s0+$0x70] =	vst v27  }
0x1f0: {  	v35 =	vadd.s32 v0, v17;
	v22 =	vand.u32 $0xFFFFFFFC, v22;
	v32 =	vld.idx.msk [tilespmem:v33+s8+$0x0], $0xffff  }
0x1f1: {  	s1 =	sadd.s32 $0x3, s3;
	v57 =	vadd.s32 v0, v18;
	v26 =	vbroadcast v22, $0x0;
	[tilespmem:s15+$0x70] =	vst v28;
	v22 =	vld.idx.msk [tilespmem:v29+s29+$0x0], $0xffff  }
0x1f2: {  	v27 =	vmov s1;
	[tilespmem:s21+$0x70] =	vst v30;
	v28 =	vld.idx.msk [tilespmem:v34+s8+$0x0], $0xffff  }
0x1f3: {  	[tilespmem:s20+$0x70] =	vst v31;
	v54 =	vld.idx.msk [tilespmem:v24+s8+$0x0], $0xffff  }
0x1f4: {  	v29 =	vadd.s32 v9, v23;
	v55 =	vld.idx.msk [tilespmem:v25+s8+$0x0], $0xffff  }
0x1f5: {  	v30 =	vadd.s32 v0, v16;
	v35 =	vld.idx.msk [tilespmem:v35+s8+$0x0], $0xffff  }
0x1f6: {  	v31 =	vadd.s32 v9, v21;
	v33 =	vld.idx.msk [tilespmem:v57+s8+$0x0], $0xffff  }
0x1f7: {  	s4 =	simm.s32 $0x400;
	v25 =	vld.idx.msk [tilespmem:v27+s29+$0x0], $0xffff;
	v27 =	vadd.s32 v9, v20  }
0x1f8: {  	s2 =	sadd.s32 $0x200, s10;
	v38 =	vadd.s32 v1, v17;
	s26 =	sand.u32 $0xFFFFF800, s4;
	[tilespmem:s0+$0x400] =	vst v32;
	v24 =	vld.idx.msk [tilespmem:v26+s29+$0x0], $0xffff  }
0x1f9: {  	v59 =	vadd.s32 v1, v18;
	s5 =	sadd.s32 $0xFFFFFF80, s2;
	s6 =	sadd.s32 $0xFFFFFF00, s2;
	s28 =	sadd.s32 $0xFFFFFE80, s2;
	v29 =	vld.idx.msk [tilespmem:v29+s8+$0x0], $0xffff;
	[tilespmem:s15+$0x400] =	vst v28  }
0x1fa: {  	s1 =	sadd.s32 $0x8800, s26;
	s5 =	sand.u32 $0x300, s5;
	s7 =	sand.u32 $0x280, s6;
	v56 =	vadd.s32 v0, v22;
	v30 =	vld.idx.msk [tilespmem:v30+s8+$0x0], $0xffff;
	[tilespmem:s21+$0x400] =	vst v54  }
0x1fb: {  	s6 =	sor.u32 s5, s1;
	s7 =	sor.u32 s7, s1;
	s5 =	sand.u32 $0x200, s28;
	v26 =	vadd.s32 v9, v19;
	v28 =	vld.idx.msk [tilespmem:v31+s8+$0x0], $0xffff;
	[tilespmem:s20+$0x400] =	vst v55  }
0x1fc: {  	s5 =	sor.u32 s5, s1;
	v31 =	vadd.s32 v10, v23;
	[tilespmem:s7+$0x0] =	vst v35;
	v27 =	vld.idx.msk [tilespmem:v27+s8+$0x0], $0xffff  }
0x1fd: {  	v58 =	vadd.s32 v10, v21;
	s9 =	sand.u32 $0x380, s2;
	[tilespmem:s5+$0x0] =	vst v33;
	v61 =	vld.idx.msk [tilespmem:v38+s8+$0x0], $0xffff  }
0x1fe: {  	v36 =	vadd.s32 v10, v20;
	s1 =	sor.u32 s9, s1;
	v33 =	vld.idx.msk [tilespmem:v59+s8+$0x0], $0xffff;
	[tilespmem:s0+$0x410] =	vst v29  }
0x1ff: {  	v63 =	vadd.s32 v2, v17;
	v32 =	vld.idx.msk [tilespmem:v56+s8+$0x0], $0xffff;
	[tilespmem:s1+$0x0] =	vst v30  }
0x200: {  	v37 =	vadd.s32 v1, v22;
	v26 =	vld.idx.msk [tilespmem:v26+s8+$0x0], $0xffff;
	[tilespmem:s15+$0x410] =	vst v28  }
0x201: {  	v30 =	vadd.s32 v2, v18;
	v31 =	vld.idx.msk [tilespmem:v31+s8+$0x0], $0xffff;
	[tilespmem:s21+$0x410] =	vst v27  }
0x202: {  	v29 =	vadd.s32 v10, v19;
	v27 =	vld.idx.msk [tilespmem:v58+s8+$0x0], $0xffff;
	[tilespmem:s7+$0x10] =	vst v61  }
0x203: {  	v28 =	vadd.s32 v11, v23;
	[tilespmem:s5+$0x10] =	vst v33;
	v36 =	vld.idx.msk [tilespmem:v36+s8+$0x0], $0xffff  }
0x204: {  	v60 =	vadd.s32 v11, v21;
	[tilespmem:s6+$0x0] =	vst v32;
	v34 =	vld.idx.msk [tilespmem:v63+s8+$0x0], $0xffff  }
0x205: {  	[tilespmem:s20+$0x410] =	vst v26;
	v26 =	vadd.s32 v1, v16;
	v32 =	vld.idx.msk [tilespmem:v37+s8+$0x0], $0xffff  }
0x206: {  	v62 =	vadd.s32 v11, v20;
	v30 =	vld.idx.msk [tilespmem:v30+s8+$0x0], $0xffff  }
0x207: {  	v43 =	vadd.s32 v3, v17;
	v29 =	vld.idx.msk [tilespmem:v29+s8+$0x0], $0xffff;
	[tilespmem:s0+$0x420] =	vst v31  }
0x208: {  	v31 =	vadd.s32 v2, v22;
	v28 =	vld.idx.msk [tilespmem:v28+s8+$0x0], $0xffff;
	[tilespmem:s15+$0x420] =	vst v27  }
0x209: {  	v41 =	vadd.s32 v11, v19;
	[tilespmem:s21+$0x420] =	vst v36;
	v35 =	vld.idx.msk [tilespmem:v60+s8+$0x0], $0xffff  }
0x20a: {  	v27 =	vadd.s32 v12, v23;
	[tilespmem:s7+$0x20] =	vst v34;
	v26 =	vld.idx.msk [tilespmem:v26+s8+$0x0], $0xffff  }
0x20b: {  	v42 =	vadd.s32 v12, v21;
	[tilespmem:s6+$0x10] =	vst v32;
	v36 =	vld.idx.msk [tilespmem:v62+s8+$0x0], $0xffff  }
0x20c: {  	v40 =	vadd.s32 v2, v16;
	v33 =	vld.idx.msk [tilespmem:v43+s8+$0x0], $0xffff;
	[tilespmem:s5+$0x20] =	vst v30  }
0x20d: {  	v31 =	vld.idx.msk [tilespmem:v31+s8+$0x0], $0xffff;
	[tilespmem:s20+$0x420] =	vst v29;
	v29 =	vadd.s32 v3, v18  }
0x20e: {  	v47 =	vadd.s32 v12, v20;
	[tilespmem:s0+$0x430] =	vst v28;
	v45 =	vld.idx.msk [tilespmem:v41+s8+$0x0], $0xffff  }
0x20f: {  	v28 =	vadd.s32 v3, v22;
	v27 =	vld.idx.msk [tilespmem:v27+s8+$0x0], $0xffff;
	[tilespmem:s15+$0x430] =	vst v35  }
0x210: {  	v48 =	vadd.s32 v4, v17;
	[tilespmem:s1+$0x10] =	vst v26;
	v46 =	vld.idx.msk [tilespmem:v42+s8+$0x0], $0xffff  }
0x211: {  	v44 =	vadd.s32 v13, v23;
	[tilespmem:s21+$0x430] =	vst v36;
	v26 =	vld.idx.msk [tilespmem:v40+s8+$0x0], $0xffff  }
0x212: {  	[tilespmem:s6+$0x20] =	vst v31;
	v31 =	vadd.s32 v3, v16;
	v29 =	vld.idx.msk [tilespmem:v29+s8+$0x0], $0xffff  }
0x213: {  	v50 =	vadd.s32 v13, v21;
	[tilespmem:s7+$0x30] =	vst v33;
	v34 =	vld.idx.msk [tilespmem:v47+s8+$0x0], $0xffff  }
0x214: {  	v49 =	vadd.s32 v4, v18;
	v28 =	vld.idx.msk [tilespmem:v28+s8+$0x0], $0xffff;
	[tilespmem:s20+$0x430] =	vst v45  }
0x215: {  	v30 =	vadd.s32 v4, v22;
	v51 =	vld.idx.msk [tilespmem:v48+s8+$0x0], $0xffff;
	[tilespmem:s0+$0x440] =	vst v27  }
0x216: {  	v52 =	vadd.s32 v13, v20;
	v32 =	vld.idx.msk [tilespmem:v44+s8+$0x0], $0xffff;
	[tilespmem:s1+$0x20] =	vst v26  }
0x217: {  	[tilespmem:s15+$0x440] =	vst v46;
	v26 =	vld.idx.msk [tilespmem:v31+s8+$0x0], $0xffff;
	v31 =	vadd.s32 v14, v23  }
0x218: {  	v54 =	vadd.s32 v5, v17;
	[tilespmem:s5+$0x30] =	vst v29;
	v33 =	vld.idx.msk [tilespmem:v50+s8+$0x0], $0xffff  }
0x219: {  	[tilespmem:s6+$0x30] =	vst v28;
	v28 =	vadd.s32 v4, v16;
	v53 =	vld.idx.msk [tilespmem:v49+s8+$0x0], $0xffff  }
0x21a: {  	v27 =	vadd.s32 v12, v19;
	[tilespmem:s21+$0x440] =	vst v34;
	v30 =	vld.idx.msk [tilespmem:v30+s8+$0x0], $0xffff  }
0x21b: {  	v29 =	vadd.s32 v5, v22;
	v34 =	vld.idx.msk [tilespmem:v52+s8+$0x0], $0xffff;
	[tilespmem:s0+$0x450] =	vst v32  }
0x21c: {  	v57 =	vadd.s32 v14, v21;
	[tilespmem:s7+$0x40] =	vst v51;
	v31 =	vld.idx.msk [tilespmem:v31+s8+$0x0], $0xffff  }
0x21d: {  	v23 =	vadd.s32 v15, v23;
	v36 =	vld.idx.msk [tilespmem:v54+s8+$0x0], $0xffff;
	[tilespmem:s1+$0x30] =	vst v26  }
0x21e: {  	[tilespmem:s15+$0x450] =	vst v33;
	v26 =	vld.idx.msk [tilespmem:v28+s8+$0x0], $0xffff;
	v28 =	vadd.s32 v5, v18  }
0x21f: {  	s30 =	sadd.s32 $0x1, s3;
	v27 =	vld.idx.msk [tilespmem:v27+s8+$0x0], $0xffff;
	[tilespmem:s6+$0x40] =	vst v30;
	v30 =	vadd.s32 v5, v16  }
0x220: {  	v59 =	vadd.s32 v6, v17;
	v56 =	vmov s30;
	[tilespmem:s5+$0x40] =	vst v53;
	v29 =	vld.idx.msk [tilespmem:v29+s8+$0x0], $0xffff  }
0x221: {  	v55 =	vadd.s32 v13, v19;
	v61 =	vld.idx.msk [tilespmem:v57+s8+$0x0], $0xffff;
	[tilespmem:s0+$0x460] =	vst v31;
	v31 =	vand.u32 $0xFFFFFFFD, v56  }
0x222: {  	v58 =	vadd.s32 v6, v22;
	[tilespmem:s7+$0x50] =	vst v36;
	v23 =	vld.idx.msk [tilespmem:v23+s8+$0x0], $0xffff;
	v31 =	vbroadcast v31, $0x0  }
0x223: {  	v28 =	vld.idx.msk [tilespmem:v28+s8+$0x0], $0xffff;
	[tilespmem:s1+$0x40] =	vst v26  }
0x224: {  	[tilespmem:s20+$0x440] =	vst v27;
	v27 =	vadd.s32 v6, v18;
	v30 =	vld.idx.msk [tilespmem:v30+s8+$0x0], $0xffff  }
0x225: {  	v37 =	vld.idx.msk [tilespmem:v59+s8+$0x0], $0xffff;
	[tilespmem:s6+$0x50] =	vst v29;
	v29 =	vadd.s32 v6, v16  }
0x226: {  	v62 =	vadd.s32 v14, v20;
	[tilespmem:s21+$0x450] =	vst v34;
	v60 =	vld.idx.msk [tilespmem:v55+s8+$0x0], $0xffff  }
0x227: {  	v21 =	vadd.s32 v15, v21;
	v32 =	vld.idx.msk [tilespmem:v58+s8+$0x0], $0xffff;
	[tilespmem:s0+$0x470] =	vst v23  }
0x228: {  	v23 =	vadd.s32 v14, v19;
	[tilespmem:s5+$0x50] =	vst v28;
	v26 =	vld.idx.msk [tilespmem:v31+s29+$0x0], $0xffff  }
0x229: {  	v28 =	vadd.s32 v7, v22;
	v31 =	vld.idx.msk [tilespmem:v27+s8+$0x0], $0xffff;
	[tilespmem:s1+$0x50] =	vst v30  }
0x22a: {  	v63 =	vadd.s32 v7, v17;
	[tilespmem:s15+$0x460] =	vst v61;
	v29 =	vld.idx.msk [tilespmem:v29+s8+$0x0], $0xffff  }
0x22b: {  	v39 =	vld.idx.msk [tilespmem:v62+s8+$0x0], $0xffff;
	[tilespmem:s7+$0x60] =	vst v37;
	s0 =	sadd.s32 $0x4, s3;
	v30 =	vadd.s32 v7, v18  }
0x22c: {  	s31 =	sadd.s32 $0x2, s3;
	v40 =	vadd.s32 v7, v16;
	v35 =	vld.idx.msk [tilespmem:v21+s8+$0x0], $0xffff;
	[tilespmem:s20+$0x450] =	vst v60;
	p2 =	slt.u32 s0, s22  }
.Ltmp9:
0x22d: {  	v36 =	vadd.s32 v15, v20;
	[tilespmem:s6+$0x60] =	vst v32;
	v32 =	vld.idx.msk [tilespmem:v23+s8+$0x0], $0xffff;
	v23 =	vmov s31;
	(pc) =	sbr.rel @!p2 .LBB2_17-.Ltmp9, $4  }
0x22e: {  	v37 =	vadd.s32 v15, v19;
	v27 =	vld.idx.msk [tilespmem:v28+s8+$0x0], $0xffff;
	[tilespmem:s5+$0x60] =	vst v31;
	v20 =	vand.u32 $0xFFFFFFFE, v23  }
0x22f: {  	v33 =	vadd.s32 v8, v22;
	v28 =	vld.idx.msk [tilespmem:v63+s8+$0x0], $0xffff;
	[tilespmem:s1+$0x60] =	vst v29;
	v29 =	vbroadcast v20, $0x0  }
0x230: {  	v30 =	vld.idx.msk [tilespmem:v30+s8+$0x0], $0xffff  }
0x231: {  	p1 =	por $0x1, $0x1;
	v34 =	vadd.s32 v8, v17;
	[tilespmem:s21+$0x460] =	vst v39;
	v31 =	vld.idx.msk [tilespmem:v40+s8+$0x0], $0xffff  }
.LBB2_18:
0x232: {  	v19 =	vmov s0;
	v20 =	vadd.s32 v8, v18;
	v23 =	vld.idx.msk [tilespmem:v36+s8+$0x0], $0xffff;
	[tilespmem:s20+$0x460] =	vst v32  }
0x233: {  	s3 =	sadd.s32 $0x3, s0;
	v19 =	vand.u32 $0xFFFFFFFC, v19;
	[tilespmem:s6+$0x70] =	vst v27;
	v27 =	vadd.s32 v8, v16;
	v32 =	vld.idx.msk [tilespmem:v37+s8+$0x0], $0xffff  }
0x234: {  	v36 =	vbroadcast v19, $0x0;
	v19 =	vmov s3;
	[tilespmem:s7+$0x70] =	vst v28;
	v28 =	vld.idx.msk [tilespmem:v33+s8+$0x0], $0xffff  }
0x235: {  	v21 =	vld.idx.msk [tilespmem:v29+s29+$0x0], $0xffff;
	[tilespmem:s15+$0x470] =	vst v35;
	s15 =	smov.u32 s7  }
0x236: {  	[tilespmem:s5+$0x70] =	vst v30;
	v29 =	vld.idx.msk [tilespmem:v34+s8+$0x0], $0xffff;
	v30 =	vadd.s32 v9, v22  }
0x237: {  	v33 =	vadd.s32 v0, v25;
	v34 =	vld.idx.msk [tilespmem:v20+s8+$0x0], $0xffff;
	[tilespmem:s1+$0x70] =	vst v31  }
0x238: {  	v31 =	vadd.s32 v9, v17;
	v27 =	vld.idx.msk [tilespmem:v27+s8+$0x0], $0xffff;
	[tilespmem:s21+$0x470] =	vst v23;
	s21 =	smov.u32 s5  }
0x239: {  	v23 =	vadd.s32 v9, v18;
	v19 =	vld.idx.msk [tilespmem:v19+s29+$0x0], $0xffff;
	[tilespmem:s20+$0x470] =	vst v32;
	s20 =	smov.u32 s1  }
0x23a: {  	v20 =	vld.idx.msk [tilespmem:v36+s29+$0x0], $0xffff;
	[tilespmem:s6+$0x400] =	vst v28;
	v28 =	vadd.s32 v9, v16  }
0x23b: {  	v32 =	vadd.s32 v0, v21;
	v30 =	vld.idx.msk [tilespmem:v30+s8+$0x0], $0xffff  }
0x23c: {  	v35 =	vadd.s32 v0, v26;
	v33 =	vld.idx.msk [tilespmem:v33+s8+$0x0], $0xffff;
	[tilespmem:s15+$0x400] =	vst v29  }
0x23d: {  	[tilespmem:s21+$0x400] =	vst v34;
	v29 =	vld.idx.msk [tilespmem:v31+s8+$0x0], $0xffff;
	v31 =	vadd.s32 v10, v22  }
0x23e: {  	v34 =	vadd.s32 v0, v24;
	v23 =	vld.idx.msk [tilespmem:v23+s8+$0x0], $0xffff;
	[tilespmem:s20+$0x400] =	vst v27  }
0x23f: {  	v27 =	vadd.s32 v10, v17;
	v28 =	vld.idx.msk [tilespmem:v28+s8+$0x0], $0xffff  }
0x240: {  	v36 =	vadd.s32 v10, v18;
	v32 =	vld.idx.msk [tilespmem:v32+s8+$0x0], $0xffff  }
0x241: {  	v35 =	vld.idx.msk [tilespmem:v35+s8+$0x0], $0xffff;
	[tilespmem:s6+$0x410] =	vst v30;
	v30 =	vadd.s32 v10, v16  }
0x242: {  	s2 =	sadd.s32 $0x200, s2;
	s4 =	sadd.s32 $0x400, s4;
	v37 =	vadd.s32 v1, v21;
	v31 =	vld.idx.msk [tilespmem:v31+s8+$0x0], $0xffff  }
0x243: {  	v38 =	vadd.s32 v1, v26;
	s3 =	sadd.s32 $0xFFFFFE80, s2;
	s5 =	sadd.s32 $0xFFFFFF80, s2;
	s1 =	sand.u32 $0xFFFFF800, s4;
	v34 =	vld.idx.msk [tilespmem:v34+s8+$0x0], $0xffff;
	[tilespmem:s15+$0x410] =	vst v29  }
0x244: {  	s7 =	sadd.s32 $0xFFFFFF00, s2;
	s5 =	sand.u32 $0x300, s5;
	s1 =	sadd.s32 $0x8800, s1;
	[tilespmem:s21+$0x410] =	vst v23;
	v23 =	vld.idx.msk [tilespmem:v27+s8+$0x0], $0xffff;
	v27 =	vadd.s32 v11, v22  }
0x245: {  	s9 =	sand.u32 $0x200, s3;
	s7 =	sand.u32 $0x280, s7;
	s3 =	sor.u32 s5, s1;
	v29 =	vadd.s32 v1, v24;
	v36 =	vld.idx.msk [tilespmem:v36+s8+$0x0], $0xffff;
	[tilespmem:s20+$0x410] =	vst v28  }
0x246: {  	s5 =	sor.u32 s9, s1;
	s7 =	sor.u32 s7, s1;
	s9 =	sand.u32 $0x380, s2;
	v28 =	vadd.s32 v1, v25;
	[tilespmem:s3+$0x0] =	vst v32;
	v30 =	vld.idx.msk [tilespmem:v30+s8+$0x0], $0xffff  }
0x247: {  	s1 =	sor.u32 s9, s1;
	[tilespmem:s7+$0x0] =	vst v35;
	v32 =	vld.idx.msk [tilespmem:v37+s8+$0x0], $0xffff;
	v35 =	vadd.s32 v11, v17  }
0x248: {  	v37 =	vld.idx.msk [tilespmem:v38+s8+$0x0], $0xffff;
	v38 =	vadd.s32 v11, v18;
	[tilespmem:s6+$0x420] =	vst v31  }
0x249: {  	v31 =	vadd.s32 v2, v21;
	[tilespmem:s5+$0x0] =	vst v34;
	v27 =	vld.idx.msk [tilespmem:v27+s8+$0x0], $0xffff  }
0x24a: {  	v34 =	vadd.s32 v2, v26;
	v29 =	vld.idx.msk [tilespmem:v29+s8+$0x0], $0xffff;
	[tilespmem:s1+$0x0] =	vst v33  }
0x24b: {  	v28 =	vld.idx.msk [tilespmem:v28+s8+$0x0], $0xffff;
	[tilespmem:s15+$0x420] =	vst v23;
	v23 =	vadd.s32 v12, v22  }
0x24c: {  	v33 =	vadd.s32 v2, v24;
	[tilespmem:s21+$0x420] =	vst v36;
	v35 =	vld.idx.msk [tilespmem:v35+s8+$0x0], $0xffff  }
0x24d: {  	[tilespmem:s3+$0x10] =	vst v32;
	v32 =	vadd.s32 v2, v25;
	v36 =	vld.idx.msk [tilespmem:v38+s8+$0x0], $0xffff  }
0x24e: {  	[tilespmem:s7+$0x10] =	vst v37;
	v31 =	vld.idx.msk [tilespmem:v31+s8+$0x0], $0xffff;
	v37 =	vadd.s32 v11, v16  }
0x24f: {  	v38 =	vadd.s32 v12, v17;
	v34 =	vld.idx.msk [tilespmem:v34+s8+$0x0], $0xffff;
	[tilespmem:s6+$0x430] =	vst v27  }
0x250: {  	v27 =	vadd.s32 v3, v21;
	[tilespmem:s5+$0x10] =	vst v29;
	v23 =	vld.idx.msk [tilespmem:v23+s8+$0x0], $0xffff  }
0x251: {  	v29 =	vld.idx.msk [tilespmem:v33+s8+$0x0], $0xffff;
	v33 =	vadd.s32 v3, v26;
	[tilespmem:s1+$0x10] =	vst v28  }
0x252: {  	v28 =	vld.idx.msk [tilespmem:v32+s8+$0x0], $0xffff;
	v32 =	vadd.s32 v13, v22;
	[tilespmem:s20+$0x420] =	vst v30  }
0x253: {  	v30 =	vadd.s32 v3, v24;
	[tilespmem:s15+$0x430] =	vst v35;
	v35 =	vld.idx.msk [tilespmem:v37+s8+$0x0], $0xffff  }
0x254: {  	[tilespmem:s3+$0x20] =	vst v31;
	v31 =	vadd.s32 v3, v25;
	v37 =	vld.idx.msk [tilespmem:v38+s8+$0x0], $0xffff  }
0x255: {  	[tilespmem:s7+$0x20] =	vst v34;
	v27 =	vld.idx.msk [tilespmem:v27+s8+$0x0], $0xffff;
	v34 =	vadd.s32 v12, v18  }
0x256: {  	v33 =	vld.idx.msk [tilespmem:v33+s8+$0x0], $0xffff;
	[tilespmem:s6+$0x440] =	vst v23;
	v23 =	vadd.s32 v12, v16  }
0x257: {  	[tilespmem:s5+$0x20] =	vst v29;
	v29 =	vadd.s32 v4, v21;
	v32 =	vld.idx.msk [tilespmem:v32+s8+$0x0], $0xffff  }
0x258: {  	v38 =	vadd.s32 v4, v26;
	v30 =	vld.idx.msk [tilespmem:v30+s8+$0x0], $0xffff;
	[tilespmem:s1+$0x20] =	vst v28  }
0x259: {  	v28 =	vld.idx.msk [tilespmem:v31+s8+$0x0], $0xffff;
	[tilespmem:s21+$0x430] =	vst v36;
	v31 =	vadd.s32 v14, v22  }
0x25a: {  	v36 =	vadd.s32 v4, v24;
	v34 =	vld.idx.msk [tilespmem:v34+s8+$0x0], $0xffff;
	[tilespmem:s20+$0x430] =	vst v35  }
0x25b: {  	[tilespmem:s3+$0x30] =	vst v27;
	v27 =	vadd.s32 v4, v25;
	v23 =	vld.idx.msk [tilespmem:v23+s8+$0x0], $0xffff  }
0x25c: {  	[tilespmem:s7+$0x30] =	vst v33;
	v29 =	vld.idx.msk [tilespmem:v29+s8+$0x0], $0xffff;
	v33 =	vadd.s32 v13, v17  }
0x25d: {  	v35 =	vld.idx.msk [tilespmem:v38+s8+$0x0], $0xffff;
	v38 =	vadd.s32 v13, v18;
	[tilespmem:s6+$0x450] =	vst v32  }
0x25e: {  	[tilespmem:s5+$0x30] =	vst v30;
	v30 =	vadd.s32 v5, v21;
	v31 =	vld.idx.msk [tilespmem:v31+s8+$0x0], $0xffff  }
0x25f: {  	v32 =	vld.idx.msk [tilespmem:v36+s8+$0x0], $0xffff;
	v36 =	vadd.s32 v5, v26;
	[tilespmem:s1+$0x30] =	vst v28  }
0x260: {  	v28 =	vadd.s32 v15, v22;
	v22 =	vmov v21;
	v27 =	vld.idx.msk [tilespmem:v27+s8+$0x0], $0xffff;
	[tilespmem:s15+$0x440] =	vst v37  }
0x261: {  	v21 =	vadd.s32 v5, v24;
	[tilespmem:s21+$0x440] =	vst v34;
	v33 =	vld.idx.msk [tilespmem:v33+s8+$0x0], $0xffff  }
0x262: {  	[tilespmem:s3+$0x40] =	vst v29;
	v29 =	vadd.s32 v5, v25;
	v34 =	vld.idx.msk [tilespmem:v38+s8+$0x0], $0xffff  }
0x263: {  	s9 =	sadd.s32 $0x1, s0;
	[tilespmem:s7+$0x40] =	vst v35;
	v30 =	vld.idx.msk [tilespmem:v30+s8+$0x0], $0xffff;
	v35 =	vadd.s32 v13, v16  }
0x264: {  	v37 =	vmov s9;
	v38 =	vadd.s32 v14, v17;
	v36 =	vld.idx.msk [tilespmem:v36+s8+$0x0], $0xffff;
	[tilespmem:s6+$0x460] =	vst v31  }
0x265: {  	v31 =	vand.u32 $0xFFFFFFFD, v37;
	[tilespmem:s5+$0x40] =	vst v32;
	v32 =	vadd.s32 v6, v22;
	v28 =	vld.idx.msk [tilespmem:v28+s8+$0x0], $0xffff  }
0x266: {  	v37 =	vadd.s32 v6, v26;
	v31 =	vbroadcast v31, $0x0;
	v21 =	vld.idx.msk [tilespmem:v21+s8+$0x0], $0xffff;
	[tilespmem:s1+$0x40] =	vst v27  }
0x267: {  	v27 =	vld.idx.msk [tilespmem:v29+s8+$0x0], $0xffff;
	[tilespmem:s20+$0x440] =	vst v23  }
0x268: {  	v23 =	vadd.s32 v6, v24;
	[tilespmem:s15+$0x450] =	vst v33;
	v29 =	vld.idx.msk [tilespmem:v35+s8+$0x0], $0xffff  }
0x269: {  	[tilespmem:s3+$0x50] =	vst v30;
	v30 =	vadd.s32 v6, v25;
	v33 =	vld.idx.msk [tilespmem:v38+s8+$0x0], $0xffff  }
0x26a: {  	v35 =	vadd.s32 v14, v18;
	[tilespmem:s7+$0x50] =	vst v36;
	v32 =	vld.idx.msk [tilespmem:v32+s8+$0x0], $0xffff  }
0x26b: {  	v36 =	vld.idx.msk [tilespmem:v37+s8+$0x0], $0xffff;
	[tilespmem:s6+$0x470] =	vst v28;
	v28 =	vadd.s32 v14, v16;
	s6 =	smov.u32 s3  }
0x26c: {  	v31 =	vld.idx.msk [tilespmem:v31+s29+$0x0], $0xffff;
	[tilespmem:s5+$0x50] =	vst v21;
	v21 =	vadd.s32 v7, v22  }
0x26d: {  	v37 =	vadd.s32 v7, v26;
	v23 =	vld.idx.msk [tilespmem:v23+s8+$0x0], $0xffff;
	[tilespmem:s1+$0x50] =	vst v27  }
0x26e: {  	v38 =	vld.idx.msk [tilespmem:v30+s8+$0x0], $0xffff;
	[tilespmem:s21+$0x450] =	vst v34;
	v30 =	vadd.s32 v15, v17;
	v17 =	vmov v26  }
0x26f: {  	s3 =	sadd.s32 $0x2, s0;
	s0 =	sadd.s32 $0x4, s0;
	v34 =	vadd.s32 v7, v24;
	v39 =	vld.idx.msk [tilespmem:v35+s8+$0x0], $0xffff;
	[tilespmem:s20+$0x450] =	vst v29  }
0x270: {  	v40 =	vadd.s32 v7, v25;
	p2 =	slt.u32 s0, s22;
	[tilespmem:s6+$0x60] =	vst v32;
	v32 =	vld.idx.msk [tilespmem:v28+s8+$0x0], $0xffff  }
.Ltmp10:
0x271: {  	v41 =	vmov s3;
	[tilespmem:s7+$0x60] =	vst v36;
	v27 =	vld.idx.msk [tilespmem:v21+s8+$0x0], $0xffff;
	v36 =	vadd.s32 v15, v18;
	v18 =	vmovc v24;
	v24 =	vmov v20;
	(pc) =	sbr.rel @p2 .LBB2_18-.Ltmp10, $4  }
0x272: {  	v20 =	vand.u32 $0xFFFFFFFE, v41;
	v28 =	vld.idx.msk [tilespmem:v37+s8+$0x0], $0xffff;
	[tilespmem:s15+$0x460] =	vst v33;
	v37 =	vadd.s32 v15, v16;
	v16 =	vmovc v25;
	v25 =	vmov v19  }
0x273: {  	v26 =	vmov v31;
	v29 =	vbroadcast v20, $0x0;
	v33 =	vadd.s32 v8, v22;
	[tilespmem:s5+$0x60] =	vst v23;
	v35 =	vld.idx.msk [tilespmem:v30+s8+$0x0], $0xffff  }
0x274: {  	v30 =	vld.idx.msk [tilespmem:v34+s8+$0x0], $0xffff;
	[tilespmem:s1+$0x60] =	vst v38  }
0x275: {  	v34 =	vadd.s32 v8, v17;
	v31 =	vld.idx.msk [tilespmem:v40+s8+$0x0], $0xffff;
	[tilespmem:s21+$0x460] =	vst v39  }
0x276: {  	v20 =	vmov v18;
	v19 =	vmov v16  }
0x277: {  	s3 =	smov.u32 s20;
	v21 =	vmovc v17;
	s0 =	smov.u32 s6;
	v23 =	vmovc v22;
	v16 =	vmov v25;
	s20 =	smov.u32 s1;
	v17 =	vmov v26;
	v18 =	vmov v24  }
.LBB2_20:
0x278: {  	_ =	sdelay $0x3  }
0x279: {  	v22 =	vld.idx.msk [tilespmem:v29+s29+$0x0], $0xffff;
	[tilespmem:s3+$0x460] =	vst @p1 v32;
	v44 =	vadd.s32 v0, v17  }
0x27a: {  	v25 =	vld.idx.msk @p1 [tilespmem:v36+s8+$0x0], $0xffff;
	[tilespmem:s0+$0x70] =	vst @p0 v27;
	v45 =	vadd.s32 v0, v18  }
0x27b: {  	[tilespmem:s7+$0x70] =	vst @p0 v28;
	v46 =	vadd.s32 v0, v16;
	v27 =	vld.idx.msk @p1 [tilespmem:v37+s8+$0x0], $0xffff  }
0x27c: {  	[tilespmem:s5+$0x70] =	vst @p0 v30;
	v30 =	vld.idx.msk @p0 [tilespmem:v34+s8+$0x0], $0xffff;
	v34 =	vadd.s32 @p0 v8, v19  }
0x27d: {  	v24 =	vadd.s32 @p0 v8, v20;
	v28 =	vld.idx.msk @p0 [tilespmem:v33+s8+$0x0], $0xffff  }
0x27e: {  	[tilespmem:s15+$0x470] =	vst @p1 v35;
	v35 =	vadd.s32 @p0 v9, v23;
	v47 =	vld.idx.msk [tilespmem:v44+s8+$0x0], $0xffff  }
0x27f: {  	s1 =	sadd.s32 @p0 $0x200, s2;
	s2 =	sadd.s32 @p0 $0x400, s4;
	s6 =	smov.u32 s10;
	[tilespmem:s20+$0x70] =	vst @p0 v31;
	v26 =	vadd.s32 v0, v22;
	v49 =	vld.idx.msk [tilespmem:v45+s8+$0x0], $0xffff  }
0x280: {  	v50 =	vadd.s32 v1, v17;
	s19 =	smov.u32 @p0 s2;
	s6 =	smov.u32 @p0 s1;
	[tilespmem:s21+$0x470] =	vst @p1 v25;
	v51 =	vld.idx.msk [tilespmem:v46+s8+$0x0], $0xffff  }
0x281: {  	s2 =	smov.u32 @p0 s7;
	s19 =	sand.u32 $0xFFFFF800, s19;
	s23 =	sadd.s32 $0xFFFFFF00, s6;
	[tilespmem:s3+$0x470] =	vst @p1 v27;
	v33 =	vld.idx.msk @p0 [tilespmem:v34+s8+$0x0], $0xffff;
	v34 =	vadd.s32 @p0 v9, v21  }
0x282: {  	v52 =	vadd.s32 v1, v18;
	s24 =	sadd.s32 $0xFFFFFE80, s6;
	s22 =	sadd.s32 $0x8800, s19;
	s9 =	sand.u32 $0x280, s23;
	v24 =	vld.idx.msk @p0 [tilespmem:v24+s8+$0x0], $0xffff;
	[tilespmem:s0+$0x400] =	vst @p0 v28  }
0x283: {  	v53 =	vadd.s32 v1, v16;
	s4 =	sand.u32 $0x200, s24;
	s26 =	sor.u32 s9, s22;
	[tilespmem:s2+$0x400] =	vst @p0 v30;
	v35 =	vld.idx.msk @p0 [tilespmem:v35+s8+$0x0], $0xffff  }
0x284: {  	s4 =	sor.u32 s4, s22;
	s21 =	sadd.s32 $0xFFFFFF80, s6;
	s6 =	sand.u32 $0x380, s6;
	v25 =	vadd.s32 @p0 v10, v23;
	v26 =	vld.idx.msk [tilespmem:v26+s8+$0x0], $0xffff;
	[tilespmem:s26+$0x0] =	vst v47  }
0x285: {  	v48 =	vadd.s32 v1, v22;
	s6 =	sor.u32 s6, s22;
	[tilespmem:s4+$0x0] =	vst v49;
	v55 =	vld.idx.msk [tilespmem:v50+s8+$0x0], $0xffff  }
0x286: {  	[tilespmem:s6+$0x0] =	vst v51;
	v30 =	vld.idx.msk @p0 [tilespmem:v34+s8+$0x0], $0xffff;
	v34 =	vadd.s32 @p0 v9, v19  }
0x287: {  	v58 =	vadd.s32 v2, v17;
	s3 =	sand.u32 $0x300, s21;
	[tilespmem:s5+$0x400] =	vst @p0 v24;
	v57 =	vld.idx.msk [tilespmem:v52+s8+$0x0], $0xffff  }
0x288: {  	v60 =	vadd.s32 v2, v18;
	s25 =	sor.u32 s3, s22;
	v59 =	vld.idx.msk [tilespmem:v53+s8+$0x0], $0xffff;
	[tilespmem:s0+$0x410] =	vst @p0 v35  }
0x289: {  	v61 =	vadd.s32 v2, v16;
	s7 =	smov.u32 @p0 s20;
	v25 =	vld.idx.msk @p0 [tilespmem:v25+s8+$0x0], $0xffff;
	[tilespmem:s25+$0x0] =	vst v26  }
0x28a: {  	[tilespmem:s7+$0x400] =	vst @p0 v33;
	v35 =	vadd.s32 @p0 v10, v21;
	v54 =	vld.idx.msk [tilespmem:v48+s8+$0x0], $0xffff  }
0x28b: {  	v26 =	vadd.s32 @p0 v9, v20;
	[tilespmem:s26+$0x10] =	vst v55;
	v34 =	vld.idx.msk @p0 [tilespmem:v34+s8+$0x0], $0xffff  }
0x28c: {  	v56 =	vadd.s32 v2, v22;
	[tilespmem:s4+$0x10] =	vst v57;
	v29 =	vld.idx.msk [tilespmem:v58+s8+$0x0], $0xffff  }
0x28d: {  	v63 =	vadd.s32 v3, v17;
	[tilespmem:s6+$0x10] =	vst v59;
	v28 =	vld.idx.msk [tilespmem:v60+s8+$0x0], $0xffff  }
0x28e: {  	v36 =	vadd.s32 v3, v18;
	[tilespmem:s2+$0x410] =	vst @p0 v30;
	v24 =	vld.idx.msk [tilespmem:v61+s8+$0x0], $0xffff  }
0x28f: {  	v37 =	vadd.s32 v3, v16;
	v30 =	vld.idx.msk @p0 [tilespmem:v35+s8+$0x0], $0xffff;
	[tilespmem:s0+$0x420] =	vst @p0 v25  }
0x290: {  	v35 =	vadd.s32 @p0 v10, v19;
	v26 =	vld.idx.msk @p0 [tilespmem:v26+s8+$0x0], $0xffff;
	[tilespmem:s25+$0x10] =	vst v54  }
0x291: {  	v27 =	vld.idx.msk [tilespmem:v56+s8+$0x0], $0xffff;
	[tilespmem:s26+$0x20] =	vst v29;
	v29 =	vadd.s32 @p0 v11, v23  }
0x292: {  	v62 =	vadd.s32 v3, v22;
	[tilespmem:s4+$0x20] =	vst v28;
	v39 =	vld.idx.msk [tilespmem:v63+s8+$0x0], $0xffff  }
0x293: {  	v42 =	vadd.s32 v4, v17;
	[tilespmem:s6+$0x20] =	vst v24;
	v41 =	vld.idx.msk [tilespmem:v36+s8+$0x0], $0xffff  }
0x294: {  	v43 =	vadd.s32 v4, v18;
	[tilespmem:s7+$0x410] =	vst @p0 v34;
	v24 =	vld.idx.msk [tilespmem:v37+s8+$0x0], $0xffff  }
0x295: {  	v44 =	vadd.s32 v4, v16;
	v34 =	vld.idx.msk @p0 [tilespmem:v35+s8+$0x0], $0xffff;
	[tilespmem:s5+$0x410] =	vst @p0 v26  }
0x296: {  	v35 =	vadd.s32 @p0 v11, v21;
	[tilespmem:s25+$0x20] =	vst v27;
	v29 =	vld.idx.msk @p0 [tilespmem:v29+s8+$0x0], $0xffff  }
0x297: {  	v27 =	vadd.s32 @p0 v10, v20;
	v38 =	vld.idx.msk [tilespmem:v62+s8+$0x0], $0xffff;
	[tilespmem:s26+$0x30] =	vst v39  }
0x298: {  	v40 =	vadd.s32 v4, v22;
	[tilespmem:s4+$0x30] =	vst v41;
	v31 =	vld.idx.msk [tilespmem:v42+s8+$0x0], $0xffff  }
0x299: {  	v46 =	vadd.s32 v5, v17;
	[tilespmem:s6+$0x30] =	vst v24;
	v26 =	vld.idx.msk [tilespmem:v43+s8+$0x0], $0xffff  }
0x29a: {  	v47 =	vadd.s32 v5, v18;
	[tilespmem:s2+$0x420] =	vst @p0 v30;
	v24 =	vld.idx.msk [tilespmem:v44+s8+$0x0], $0xffff  }
0x29b: {  	v48 =	vadd.s32 v5, v16;
	v30 =	vld.idx.msk @p0 [tilespmem:v35+s8+$0x0], $0xffff;
	[tilespmem:s7+$0x420] =	vst @p0 v34  }
0x29c: {  	v27 =	vld.idx.msk @p0 [tilespmem:v27+s8+$0x0], $0xffff;
	[tilespmem:s25+$0x30] =	vst v38  }
0x29d: {  	v35 =	vadd.s32 @p0 v12, v23;
	v28 =	vld.idx.msk [tilespmem:v40+s8+$0x0], $0xffff;
	[tilespmem:s26+$0x40] =	vst v31  }
0x29e: {  	v45 =	vadd.s32 v5, v22;
	[tilespmem:s4+$0x40] =	vst v26;
	v50 =	vld.idx.msk [tilespmem:v46+s8+$0x0], $0xffff  }
0x29f: {  	v52 =	vadd.s32 v6, v17;
	[tilespmem:s6+$0x40] =	vst v24;
	v25 =	vld.idx.msk [tilespmem:v47+s8+$0x0], $0xffff  }
0x2a0: {  	v53 =	vadd.s32 v6, v18;
	[tilespmem:s0+$0x430] =	vst @p0 v29;
	v24 =	vld.idx.msk [tilespmem:v48+s8+$0x0], $0xffff  }
0x2a1: {  	v54 =	vadd.s32 v6, v16;
	[tilespmem:s5+$0x420] =	vst @p0 v27  }
0x2a2: {  	v34 =	vld.idx.msk @p0 [tilespmem:v35+s8+$0x0], $0xffff;
	[tilespmem:s25+$0x40] =	vst v28  }
0x2a3: {  	v35 =	vadd.s32 @p0 v12, v21;
	v49 =	vld.idx.msk [tilespmem:v45+s8+$0x0], $0xffff;
	[tilespmem:s26+$0x50] =	vst v50  }
0x2a4: {  	v51 =	vadd.s32 v6, v22;
	[tilespmem:s4+$0x50] =	vst v25;
	v32 =	vld.idx.msk [tilespmem:v52+s8+$0x0], $0xffff  }
0x2a5: {  	v56 =	vadd.s32 v7, v17;
	[tilespmem:s6+$0x50] =	vst v24;
	v27 =	vld.idx.msk [tilespmem:v53+s8+$0x0], $0xffff  }
0x2a6: {  	v57 =	vadd.s32 v7, v18;
	[tilespmem:s2+$0x430] =	vst @p0 v30;
	v24 =	vld.idx.msk [tilespmem:v54+s8+$0x0], $0xffff  }
0x2a7: {  	v58 =	vadd.s32 v7, v16;
	[tilespmem:s0+$0x440] =	vst @p0 v34  }
0x2a8: {  	v34 =	vld.idx.msk @p0 [tilespmem:v35+s8+$0x0], $0xffff;
	v28 =	vadd.s32 @p0 v11, v20;
	[tilespmem:s25+$0x50] =	vst v49  }
0x2a9: {  	v31 =	vadd.s32 @p0 v11, v19;
	v26 =	vld.idx.msk [tilespmem:v51+s8+$0x0], $0xffff;
	[tilespmem:s26+$0x60] =	vst v32  }
0x2aa: {  	v55 =	vadd.s32 v7, v22;
	[tilespmem:s4+$0x60] =	vst v27;
	v32 =	vld.idx.msk [tilespmem:v56+s8+$0x0], $0xffff  }
0x2ab: {  	v60 =	vadd.s32 v8, v17;
	[tilespmem:s6+$0x60] =	vst v24;
	v29 =	vld.idx.msk [tilespmem:v57+s8+$0x0], $0xffff  }
0x2ac: {  	v61 =	vadd.s32 v8, v18;
	v30 =	vld.idx.msk [tilespmem:v58+s8+$0x0], $0xffff  }
0x2ad: {  	v62 =	vadd.s32 v8, v16;
	v28 =	vld.idx.msk @p0 [tilespmem:v28+s8+$0x0], $0xffff  }
0x2ae: {  	v31 =	vld.idx.msk @p0 [tilespmem:v31+s8+$0x0], $0xffff;
	[tilespmem:s25+$0x60] =	vst v26;
	v26 =	vadd.s32 @p0 v13, v23  }
0x2af: {  	v35 =	vadd.s32 @p0 v12, v20;
	v25 =	vld.idx.msk [tilespmem:v55+s8+$0x0], $0xffff;
	[tilespmem:s26+$0x70] =	vst v32  }
0x2b0: {  	v59 =	vadd.s32 v8, v22;
	[tilespmem:s4+$0x70] =	vst v29;
	v24 =	vld.idx.msk [tilespmem:v60+s8+$0x0], $0xffff  }
0x2b1: {  	v37 =	vadd.s32 v9, v17;
	[tilespmem:s6+$0x70] =	vst v30;
	v36 =	vld.idx.msk [tilespmem:v61+s8+$0x0], $0xffff  }
0x2b2: {  	v38 =	vadd.s32 v9, v18;
	[tilespmem:s5+$0x430] =	vst @p0 v28;
	v28 =	vld.idx.msk [tilespmem:v62+s8+$0x0], $0xffff  }
0x2b3: {  	v39 =	vadd.s32 v9, v16;
	[tilespmem:s7+$0x430] =	vst @p0 v31;
	v26 =	vld.idx.msk @p0 [tilespmem:v26+s8+$0x0], $0xffff  }
0x2b4: {  	v33 =	vld.idx.msk @p0 [tilespmem:v35+s8+$0x0], $0xffff;
	[tilespmem:s25+$0x70] =	vst v25;
	v25 =	vadd.s32 @p0 v12, v19  }
0x2b5: {  	v35 =	vadd.s32 @p0 v14, v23;
	v27 =	vld.idx.msk [tilespmem:v59+s8+$0x0], $0xffff;
	[tilespmem:s26+$0x400] =	vst v24  }
0x2b6: {  	v63 =	vadd.s32 v9, v22;
	[tilespmem:s4+$0x400] =	vst v36;
	v24 =	vld.idx.msk [tilespmem:v37+s8+$0x0], $0xffff  }
0x2b7: {  	v41 =	vadd.s32 v10, v17;
	[tilespmem:s6+$0x400] =	vst v28;
	v31 =	vld.idx.msk [tilespmem:v38+s8+$0x0], $0xffff  }
0x2b8: {  	v42 =	vadd.s32 v10, v18;
	[tilespmem:s0+$0x450] =	vst @p0 v26;
	v26 =	vld.idx.msk [tilespmem:v39+s8+$0x0], $0xffff  }
0x2b9: {  	v43 =	vadd.s32 v10, v16;
	[tilespmem:s2+$0x440] =	vst @p0 v34;
	v25 =	vld.idx.msk @p0 [tilespmem:v25+s8+$0x0], $0xffff  }
0x2ba: {  	v34 =	vld.idx.msk @p0 [tilespmem:v35+s8+$0x0], $0xffff;
	v35 =	vadd.s32 @p0 v13, v20;
	[tilespmem:s25+$0x400] =	vst v27  }
0x2bb: {  	v27 =	vadd.s32 @p0 v13, v21;
	v29 =	vld.idx.msk [tilespmem:v63+s8+$0x0], $0xffff;
	[tilespmem:s26+$0x410] =	vst v24  }
0x2bc: {  	v40 =	vadd.s32 v10, v22;
	[tilespmem:s4+$0x410] =	vst v31;
	v24 =	vld.idx.msk [tilespmem:v41+s8+$0x0], $0xffff  }
0x2bd: {  	v23 =	vadd.s32 @p0 v15, v23;
	v45 =	vld.idx.msk [tilespmem:v42+s8+$0x0], $0xffff;
	[tilespmem:s6+$0x410] =	vst v26  }
0x2be: {  	v46 =	vadd.s32 v11, v17;
	[tilespmem:s5+$0x440] =	vst @p0 v33;
	v47 =	vld.idx.msk [tilespmem:v43+s8+$0x0], $0xffff  }
0x2bf: {  	v48 =	vadd.s32 v11, v18;
	[tilespmem:s0+$0x460] =	vst @p0 v34;
	v33 =	vld.idx.msk @p0 [tilespmem:v35+s8+$0x0], $0xffff  }
0x2c0: {  	v49 =	vadd.s32 v11, v16;
	v27 =	vld.idx.msk @p0 [tilespmem:v27+s8+$0x0], $0xffff;
	[tilespmem:s25+$0x410] =	vst v29  }
0x2c1: {  	[tilespmem:s7+$0x440] =	vst @p0 v25;
	v34 =	vadd.s32 @p0 v13, v19;
	v29 =	vld.idx.msk [tilespmem:v40+s8+$0x0], $0xffff  }
0x2c2: {  	v44 =	vadd.s32 v11, v22;
	v23 =	vld.idx.msk @p0 [tilespmem:v23+s8+$0x0], $0xffff;
	[tilespmem:s26+$0x420] =	vst v24  }
0x2c3: {  	[tilespmem:s4+$0x420] =	vst v45;
	v26 =	vld.idx.msk [tilespmem:v46+s8+$0x0], $0xffff  }
0x2c4: {  	v51 =	vadd.s32 v12, v17;
	v30 =	vld.idx.msk [tilespmem:v48+s8+$0x0], $0xffff;
	[tilespmem:s6+$0x420] =	vst v47  }
0x2c5: {  	v52 =	vadd.s32 v12, v18;
	[tilespmem:s5+$0x450] =	vst @p0 v33;
	v25 =	vld.idx.msk [tilespmem:v49+s8+$0x0], $0xffff  }
0x2c6: {  	v53 =	vadd.s32 v12, v16;
	v31 =	vld.idx.msk @p0 [tilespmem:v34+s8+$0x0], $0xffff;
	[tilespmem:s25+$0x420] =	vst v29  }
0x2c7: {  	v34 =	vadd.s32 @p0 v14, v20;
	[tilespmem:s2+$0x450] =	vst @p0 v27;
	v28 =	vld.idx.msk [tilespmem:v44+s8+$0x0], $0xffff  }
0x2c8: {  	v50 =	vadd.s32 v12, v22;
	[tilespmem:s26+$0x430] =	vst v26  }
0x2c9: {  	v29 =	vadd.s32 @p0 v14, v21;
	[tilespmem:s4+$0x430] =	vst v30;
	v32 =	vld.idx.msk [tilespmem:v51+s8+$0x0], $0xffff  }
0x2ca: {  	v55 =	vadd.s32 v13, v17;
	v27 =	vld.idx.msk [tilespmem:v52+s8+$0x0], $0xffff;
	[tilespmem:s6+$0x430] =	vst v25  }
0x2cb: {  	v56 =	vadd.s32 v13, v18;
	[tilespmem:s0+$0x470] =	vst @p0 v23;
	v23 =	vld.idx.msk [tilespmem:v53+s8+$0x0], $0xffff  }
0x2cc: {  	v57 =	vadd.s32 v13, v16;
	v33 =	vld.idx.msk @p0 [tilespmem:v34+s8+$0x0], $0xffff;
	[tilespmem:s25+$0x430] =	vst v28  }
0x2cd: {  	v28 =	vadd.s32 @p0 v14, v19;
	v24 =	vld.idx.msk [tilespmem:v50+s8+$0x0], $0xffff  }
0x2ce: {  	v54 =	vadd.s32 v13, v22;
	v29 =	vld.idx.msk @p0 [tilespmem:v29+s8+$0x0], $0xffff;
	[tilespmem:s26+$0x440] =	vst v32  }
0x2cf: {  	v21 =	vadd.s32 @p0 v15, v21;
	[tilespmem:s4+$0x440] =	vst v27;
	v25 =	vld.idx.msk [tilespmem:v55+s8+$0x0], $0xffff  }
0x2d0: {  	v27 =	vld.idx.msk [tilespmem:v56+s8+$0x0], $0xffff;
	[tilespmem:s6+$0x440] =	vst v23  }
0x2d1: {  	v59 =	vadd.s32 v14, v17;
	[tilespmem:s7+$0x450] =	vst @p0 v31;
	v23 =	vld.idx.msk [tilespmem:v57+s8+$0x0], $0xffff  }
0x2d2: {  	v60 =	vadd.s32 v14, v18;
	v28 =	vld.idx.msk @p0 [tilespmem:v28+s8+$0x0], $0xffff;
	[tilespmem:s25+$0x440] =	vst v24  }
0x2d3: {  	v61 =	vadd.s32 v14, v16;
	[tilespmem:s2+$0x460] =	vst @p0 v29;
	v24 =	vld.idx.msk [tilespmem:v54+s8+$0x0], $0xffff  }
0x2d4: {  	v58 =	vadd.s32 v14, v22;
	v20 =	vadd.s32 @p0 v15, v20;
	[tilespmem:s5+$0x460] =	vst @p0 v33;
	v21 =	vld.idx.msk @p0 [tilespmem:v21+s8+$0x0], $0xffff  }
0x2d5: {  	v20 =	vpsel p0, v20, v0;
	v19 =	vadd.s32 @p0 v15, v19;
	[tilespmem:s26+$0x450] =	vst v25  }
0x2d6: {  	v19 =	vpsel p0, v19, v0;
	[tilespmem:s4+$0x450] =	vst v27;
	v25 =	vld.idx.msk [tilespmem:v59+s8+$0x0], $0xffff  }
0x2d7: {  	v17 =	vadd.s32 v15, v17;
	v27 =	vld.idx.msk [tilespmem:v60+s8+$0x0], $0xffff;
	[tilespmem:s6+$0x450] =	vst v23  }
0x2d8: {  	v62 =	vadd.s32 v15, v18;
	s0 =	smov.u32 @p0 s7;
	v26 =	vpsel p0, v28, v0;
	v23 =	vld.idx.msk [tilespmem:v61+s8+$0x0], $0xffff;
	[tilespmem:s25+$0x450] =	vst v24  }
0x2d9: {  	v16 =	vadd.s32 v15, v16;
	s2 =	smov.u32 @p0 s2;
	v21 =	vpsel p0, v21, v0;
	[tilespmem:s0+$0x460] =	vst @p0 v26;
	v24 =	vld.idx.msk [tilespmem:v58+s8+$0x0], $0xffff  }
0x2da: {  	v22 =	vadd.s32 v15, v22;
	v20 =	vld.idx.msk @p0 [tilespmem:v20+s8+$0x0], $0xffff;
	[tilespmem:s2+$0x470] =	vst @p0 v21  }
0x2db: {  	v19 =	vld.idx.msk @p0 [tilespmem:v19+s8+$0x0], $0xffff;
	[tilespmem:s26+$0x460] =	vst v25  }
0x2dc: {  	[tilespmem:s4+$0x460] =	vst v27;
	v17 =	vld.idx.msk [tilespmem:v17+s8+$0x0], $0xffff  }
0x2dd: {  	v18 =	vld.idx.msk [tilespmem:v62+s8+$0x0], $0xffff;
	[tilespmem:s6+$0x460] =	vst v23  }
0x2de: {  	s2 =	smov.u32 @p0 s5;
	v16 =	vld.idx.msk [tilespmem:v16+s8+$0x0], $0xffff;
	[tilespmem:s25+$0x460] =	vst v24  }
0x2df: {  	[tilespmem:s2+$0x470] =	vst @p0 v20;
	v63 =	vld.idx.msk [tilespmem:v22+s8+$0x0], $0xffff  }
0x2e0: {  	[tilespmem:s0+$0x470] =	vst @p0 v19  }
0x2e1: {  	[tilespmem:s26+$0x470] =	vst v17  }
0x2e2: {  	[tilespmem:s4+$0x470] =	vst v18  }
0x2e3: {  	[tilespmem:s6+$0x470] =	vst v16  }
0x2e4: {  	[tilespmem:s25+$0x470] =	vst v63  }
0x2e5: {  	s31 =	sld [smem:$0x7FD];
	_ =	sdelay $0x2  }
0x2e6: {  	s1 =	sadd.s32 $0x1, s31  }
0x2e7: {  	p0 =	seq.s32 s1, $0x5  }
.Ltmp11:
0x2e8: {  	_ = 	snop;
	(pc) =	sbr.rel @!p0 .LBB2_4-.Ltmp11, $4  }
.Ltmp12:
0x2e9: {  	s28 =	sadd.s32 s14, s12;
	(pc) =	sbr.rel @p0 .LBB2_21-.Ltmp12, $4  }
0x2ea: {  	s30 =	simm.s32 $0x8800;
	s0 =	sshll.u32 s28, $0x5  }
0x2eb: {  	s18 =	sadd.s32 $0x8000, s18;
	s10 =	sadd.s32 $0x8000, s10;
	s0 =	sadd.s32 s13, s0  }
0x2ec: {  	[hbm4b:s0+s29] =	stream.linear.scatter [tilespmem:s30], [sflag:$0x1], $0x8000, $0x38;
	[tilespmem:$0x10800] =	vst v63  }
0x2ed: {  	_ = 	snop  }
.LBB2_5:
0x2ee: {  	_ = 	snop  }
0x2ef: {  	_ = 	snop  }
0x2f0: {  	_ = 	snop  }
0x2f1: {  	_ = 	snop  }
0x2f2: {  	_ = 	snop  }
0x2f3: {  	_ = 	snop  }
.Ltmp13:
0x2f4: {  	(pc) =	sbr.rel .LBB2_12-.Ltmp13, $4  }
0x2f5: {  	_ = 	snop  }
0x2f6: {  	_ = 	snop  }
0x2f7: {  	s6 =	simm.s32 $0x0;
	s11 =	simm.s32 $0x0  }
0x2f8: {  	p3 =	por $0x0, $0x0;
	s19 =	simm.s32 $0x0;
	s15 =	smov.u32 s18;
	v16 =	vmov v19;
	v17 =	vmov v20;
	v18 =	vmov v21  }
.LBB2_13:
.Ltmp14:
0x2f9: {  	_ = 	snop;
	(pc) =	sbr.rel .LBB2_20-.Ltmp14, $2  }
0x2fa: {  	_ =	sdelay $0x2  }
0x2fb: {  	s4 =	simm.s32 $0x0;
	v16 =	vmov v19;
	s2 =	smov.u32 s10;
	v18 =	vmov v20;
	v17 =	vmov v21  }
.LBB2_7:
.Ltmp15:
0x2fc: {  	(pc) =	sbr.rel .LBB2_12-.Ltmp15, $4  }
0x2fd: {  	[smem:$0x7F4] =	sst s3  }
0x2fe: {  	s3 =	smov.u32 s11;
	s1 =	smov.u32 s22;
	[smem:$0x7F5] =	sst s30  }
0x2ff: {  	s6 =	simm.s32 $0x0;
	s11 =	simm.s32 $0x0;
	[dreg:$0xc] =	wrdreg s13  }
0x300: {  	p3 =	por $0x0, $0x0;
	s15 =	smov.u32 s18;
	s19 =	simm.s32 $0x0  }
.LBB2_15:
.Ltmp16:
0x301: {  	(pc) =	sbr.rel .LBB2_20-.Ltmp16, $3  }
0x302: {  	_ =	sdelay $0x1  }
0x303: {  	s7 =	smov.u32 s15  }
0x304: {  	s5 =	smov.u32 s21;
	s2 =	smov.u32 s10;
	s4 =	simm.s32 $0x0  }
.LBB2_9:
0x305: {  	[dreg:$0xc] =	wrdreg s9  }
0x306: {  	[dreg:$0x5] =	wrdreg s0  }
0x307: {  	[dreg:$0x4] =	wrdreg s4  }
0x308: {  	[dreg:$0xd] =	wrdreg s23  }
0x309: {  	s21 =	rddreg [dreg:$0xa]  }
0x30a: {  	s9 =	rddreg [dreg:$0x12]  }
0x30b: {  	s31 =	rddreg [dreg:$0x10]  }
0x30c: {  	s23 =	rddreg [dreg:$0x9]  }
0x30d: {  	s1 =	smov.u32 s16;
	[smem:$0x7F5] =	sst s18  }
0x30e: {  	s16 =	smov.u32 s30;
	s30 =	smov.u32 s13;
	s4 =	rddreg [dreg:$0x7]  }
0x30f: {  	s13 =	smov.u32 s5;
	s5 =	smov.u32 s10;
	s10 =	rddreg [dreg:$0xf]  }
0x310: {  	s12 =	rddreg [dreg:$0x6]  }
0x311: {  	s18 =	rddreg [dreg:$0x8]  }
0x312: {  	s19 =	rddreg [dreg:$0xe]  }
0x313: {  	[smem:$0x7F6] =	sst s23  }
0x314: {  	s23 =	rddreg [dreg:$0x11]  }
0x315: {  	[smem:$0x7F7] =	sst s4  }
.Ltmp17:
0x316: {  	[smem:$0x7F4] =	sst s10;
	(pc) =	sbr.rel .LBB2_12-.Ltmp17, $4  }
0x317: {  	[smem:$0x7F8] =	sst s12  }
0x318: {  	[smem:$0x7F9] =	sst s18  }
0x319: {  	v20 =	vmov v17;
	v19 =	vmov v16;
	[smem:$0x7FA] =	sst s19  }
0x31a: {  	v21 =	vmovc v18;
	s6 =	simm.s32 $0x0;
	v22 =	vmovc v23;
	v16 =	vmov v25;
	v18 =	vmov v26;
	v17 =	vmov v24;
	s19 =	simm.s32 $0x4;
	s12 =	rddreg [dreg:$0xb]  }
.LBB2_17:
.Ltmp18:
0x31b: {  	(pc) =	sbr.rel .LBB2_20-.Ltmp18, $3  }
0x31c: {  	_ =	sdelay $0x1  }
0x31d: {  	v20 =	vmov v18;
	v19 =	vmov v16  }
0x31e: {  	s3 =	smov.u32 s20;
	v21 =	vmovc v17;
	s0 =	smov.u32 s6;
	v23 =	vmovc v22;
	v16 =	vmov v25;
	s20 =	smov.u32 s1;
	v17 =	vmov v26;
	v18 =	vmov v24  }
.LBB2_22:
0x31f: {  	_ =	sfence.sel $0x180000  }
0x320: {  	[bflag:$0x0] =	sbarrier.arrive $0xFFFF  }
0x321: {  	_ =	strace $0x90000047  }
0x322: {  	s0 =	stileid.u32;
	[bflag:$0x2] =	sbarrier.arrive $0xFFFF  }
0x323: {  	p0 =	sne.s32 s0, $0x0;
	s0 =	rddreg [dreg:$0x2]  }
0x324: {  	s0 =	sadd.s32 @!p0 $0x100000, s0  }
0x325: {  	[sflag:s0] =	ssyncadd.tile.s32 @!p0 $0x1;
	_ =	shalt  }
.Lfunc_end2:
_tile_overlayer_lowered:
.L_overlay_start_2:
0x326: {  	(tag) =	ssettag $0x2  }
0x327: {  	s0 =	rddreg [dreg:$0x0];
	s2 =	stileid.u32  }
0x328: {  	s1 =	rddreg [dreg:$0x1];
	p0 =	sne.s32 s2, $0x0  }
0x329: {  	s3 =	rddreg [dreg:$0x2];
	[bflag:$0x3] =	sbarrier.arrive $0xFFFF;
	s2 =	simm.s32 @!p0 $0x1C02  }
0x32a: {  	[timem:s3], [sflag:s2] =	dma.local @!p0 [hbm:s0], s1  }
0x32b: {  	s0 =	simm.s32 @!p0 $0x2  }
0x32c: {  	_ =	swait.ge @!p0 [sflag:s0], s1  }
0x32d: {  	s1 =	ssub.s32 @!p0 $0x0, s1;
	[sflag:s0] =	ssyncset.done @!p0 $0x0  }
0x32e: {  	[sflag:s0] =	ssyncadd.s32 @!p0 s1  }
0x32f: {  	[bflag:$0x3] =	sbarrier.arrive $0xFFFF  }
0x330: {  	_ =	shalt  }

</sc_bundles>
